<compile_context>
chip_gen: v7x
topology: tpu7x:2x2x1
jax: 0.10.2.dev20260603
libtpu: 0.0.44.dev20260713+nightly
codegen_flags: <defaults>
</compile_context>

<pallas_src>
import functools

import jax
import jax.numpy as jnp
import numpy as np
from jax import lax
from jax.experimental import pallas as pl
from jax.experimental.pallas import tpu as pltpu
from jax.experimental.pallas import tpu_sc as plsc

_N = 32
_L = 8192
_L3 = _L * 3
_C = 2048
_C3 = _C * 3
_NMC = _L // _C
_LANES = 16


def _main_body(p0f, ptf, e1f, e2f, mask, te, tt, oi_hbm, on_hbm,
               mask_v, p0_v, slab_a, slab_b, e_v, oi_v, on_v, gv, te_v, t_v,
               gtmp, gshared):
    c_ax = lax.axis_index("c")
    s_ax = lax.axis_index("s")
    w = c_ax * _LANES + s_ax

    def popcount_row():
        def step(i, acc):
            return acc + mask_v[pl.ds(i * _LANES, _LANES)]
        acc = lax.fori_loop(0, _L // _LANES, step, jnp.zeros((_LANES,), jnp.int32))
        return jnp.sum(acc)

    first = jnp.where(c_ax == 1, s_ax, s_ax + _LANES)
    second = jnp.where(c_ax == 1, s_ax + _LANES, s_ax)
    for row in (first, second):
        pltpu.sync_copy(mask.at[row], mask_v)
        gtmp[...] = jnp.full((_LANES,), popcount_row(), jnp.int32)
        pltpu.sync_copy(gtmp, gshared.at[pl.ds(row * _LANES, _LANES)])
    plsc.subcore_barrier()
    pltpu.sync_copy(gshared, gv)

    pltpu.sync_copy(p0f.at[w], p0_v)
    pltpu.sync_copy(te, te_v)
    pltpu.sync_copy(tt, t_v)
    lanes = lax.iota(jnp.int32, _LANES)
    lanes3 = lanes * 3
    zi = jnp.zeros((_LANES,), jnp.int32)
    zf16 = jnp.zeros((_LANES,), jnp.float32)
    halves = []
    for h in range(_N // _LANES):
        midx = lanes + h * _LANES
        te_h = te_v[pl.ds(h * _LANES, _LANES)]
        g_h = plsc.load_gather(gv, [midx * _LANES])
        t_h = t_v[pl.ds(h * _LANES, _LANES)]
        halves.append((midx, te_h, g_h, t_h))
    te_n = jnp.int32(0)
    tn = jnp.float32(0.0)
    for midx, te_h, g_h, t_h in halves:
        here = midx == w
        te_n = te_n + jnp.sum(jnp.where(here, te_h, zi))
        tn = tn + jnp.sum(jnp.where(here, t_h, zf16))
    te_n = te_n != 0
    tnv = jnp.full((_LANES,), tn, jnp.float32)
    onev = jnp.full((_LANES,), 1.0, jnp.float32) - tnv

    def emit(pidx, sel, addend, off):
        p0c = plsc.load_gather(p0_v, [pidx + off])
        ec = plsc.load_gather(e_v, [pidx])
        initc = jnp.where(sel, ec + addend, p0c)
        interpc = tnv * p0c + onev * initc
        plsc.store_scatter(on_v, [pidx], initc)
        plsc.store_scatter(oi_v, [pidx], interpc)

    def flush(off):
        pltpu.sync_copy(oi_v, oi_hbm.at[w, pl.ds(off, _C3)])
        pltpu.sync_copy(on_v, on_hbm.at[w, pl.ds(off, _C3)])

    @pl.when(te_n)
    def _template_path():
        b_start = jnp.int32(0)
        n_te = jnp.int32(0)
        for midx, te_h, g_h, _t in halves:
            use = jnp.logical_and(midx < w, te_h != 0)
            b_start = b_start + jnp.sum(jnp.where(use, g_h, zi))
            n_te = n_te + jnp.sum(jnp.where(te_h != 0, jnp.int32(1), zi))
        q0 = b_start // _L
        b0 = jnp.int32(0)
        b1 = jnp.int32(0)
        last = jnp.int32(0)
        rank_carry = jnp.int32(0)
        for midx, te_h, g_h, _t in halves:
            is_te = te_h != 0
            rank = plsc.cumsum(te_h) - te_h + rank_carry
            b0 = b0 + jnp.sum(jnp.where(jnp.logical_and(is_te, rank == q0), midx, zi))
            b1 = b1 + jnp.sum(jnp.where(jnp.logical_and(is_te, rank == q0 + 1), midx, zi))
            last = jnp.maximum(last, jnp.max(jnp.where(is_te, midx, zi)))
            rank_carry = rank_carry + jnp.sum(te_h)
        b0 = jnp.where(q0 < n_te, b0, last)
        b1 = jnp.where(q0 + 1 < n_te, b1, last)
        pltpu.sync_copy(ptf.at[b0], slab_a)
        pltpu.sync_copy(ptf.at[b1], slab_b)
        base0 = b_start - q0 * _L

        def mc_step(mc, sel_cnt):
            off = mc * _C3
            pltpu.sync_copy(e1f.at[w, pl.ds(off, _C3)], e_v)

            def ch(i, scnt):
                m = mask_v[pl.ds(mc * _C + i * _LANES, _LANES)]
                incl = plsc.cumsum(m)
                u = jnp.full((_LANES,), base0 + scnt, jnp.int32) + (incl - m)
                sel = m != 0
                uf = u * 3
                pbase = i * (_LANES * 3)
                for c in range(3):
                    fidx = uf + c
                    va = plsc.load_gather(slab_a, [jnp.minimum(fidx, _L3 - 1)])
                    vb = plsc.load_gather(slab_b, [jnp.maximum(fidx - _L3, 0)])
                    src = jnp.where(fidx < _L3, va, vb)
                    emit(lanes3 + (pbase + c), sel, src, off)
                return scnt + incl[_LANES - 1]

            sel_cnt = lax.fori_loop(0, _C // _LANES, ch, sel_cnt)
            flush(off)
            return sel_cnt

        lax.fori_loop(0, _NMC, mc_step, jnp.int32(0))

    @pl.when(jnp.logical_not(te_n))
    def _average_path():
        zf = jnp.zeros((_LANES,), jnp.float32)

        def rstep(i, carry):
            sx, sy, sz, cn = carry
            m = mask_v[pl.ds(i * _LANES, _LANES)]
            pb = i * (_LANES * 3)
            x = plsc.load_gather(p0_v, [lanes3 + pb])
            y = plsc.load_gather(p0_v, [lanes3 + (pb + 1)])
            zc = plsc.load_gather(p0_v, [lanes3 + (pb + 2)])
            ss = x * x + y * y + zc * zc
            ctx = jnp.logical_and(ss != 0.0, m == 0)
            cf = jnp.where(ctx, 1.0, 0.0)
            return sx + x * cf, sy + y * cf, sz + zc * cf, cn + cf

        sx, sy, sz, cn = lax.fori_loop(0, _L // _LANES, rstep, (zf, zf, zf, zf))
        countv = jnp.full((_LANES,), jnp.sum(cn), jnp.float32)
        avgs = tuple(jnp.full((_LANES,), jnp.sum(s), jnp.float32) / countv
                     for s in (sx, sy, sz))

        def mc_step(mc, unused):
            off = mc * _C3
            pltpu.sync_copy(e2f.at[w, pl.ds(off, _C3)], e_v)

            def ch(i, u):
                m = mask_v[pl.ds(mc * _C + i * _LANES, _LANES)]
                sel = m != 0
                pbase = i * (_LANES * 3)
                for c in range(3):
                    emit(lanes3 + (pbase + c), sel, avgs[c], off)
                return u

            lax.fori_loop(0, _C // _LANES, ch, jnp.int32(0))
            flush(off)
            return unused

        lax.fori_loop(0, _NMC, mc_step, jnp.int32(0))


@functools.cache
def _kernels():
    mesh = plsc.VectorSubcoreMesh(core_axis_name="c", subcore_axis_name="s")
    f32, i32 = jnp.float32, jnp.int32
    params = pltpu.CompilerParams(needs_layout_passes=False)
    main = pl.kernel(
        _main_body,
        out_type=(jax.ShapeDtypeStruct((_N, _L3), f32),
                  jax.ShapeDtypeStruct((_N, _L3), f32)),
        mesh=mesh,
        compiler_params=params,
        scratch_types=[
            pltpu.VMEM((_L,), i32),
            pltpu.VMEM((_L3,), f32),
            pltpu.VMEM((_L3,), f32),
            pltpu.VMEM((_L3,), f32),
            pltpu.VMEM((_C3,), f32),
            pltpu.VMEM((_C3,), f32),
            pltpu.VMEM((_C3,), f32),
            pltpu.VMEM((_N * _LANES,), i32),
            pltpu.VMEM((_N,), i32),
            pltpu.VMEM((_N,), f32),
            pltpu.VMEM((_LANES,), i32),
            pltpu.VMEM_SHARED((_N * _LANES,), i32),
        ],
    )
    return main


def _make_noise():
    def gen():
        kr = jax.random.key(1)
        e1 = jax.random.normal(jax.random.fold_in(kr, 1), (_N, _L, 3),
                               dtype=jnp.float32)
        e2 = jax.random.normal(jax.random.fold_in(kr, 2), (_N, _L, 3),
                               dtype=jnp.float32)
        return (np.asarray(e1).reshape(_N, _L3),
                np.asarray(e2).reshape(_N, _L3))

    try:
        with jax.default_device(jax.local_devices(backend="cpu")[0]):
            return gen()
    except RuntimeError:
        return gen()


_E1, _E2 = _make_noise()


def kernel(p_0, mask_generate, t, mask_template_generate, p_template, template_enable):
    del mask_template_generate
    n, l, _ = p_0.shape
    mask_i = mask_generate.astype(jnp.int32)
    te_i = template_enable.astype(jnp.int32)
    main = _kernels()
    oi, on = main(p_0.reshape(n, l * 3), p_template.reshape(n, l * 3),
                  _E1, _E2, mask_i, te_i, t)
    return oi.reshape(n, l, 3), on.reshape(n, l, 3)

# --- scband reference (transcript-rebuilt; emitter-appended) ---
"""Pipeline reference for scband-position-transition-14628658610431 (READ-ONLY COPY).

The authoritative reference and input builder live on the scoring server;
editing this copy changes nothing except your own understanding.
"""

import jax, jax.numpy as jnp
import numpy as np

N, L = 32, 8192

def setup_inputs(seed: int = 0):
    key = jax.random.key(seed)
    k1, k2, k3, k4, k5 = jax.random.split(key, 5)
    p_0 = jax.random.normal(k1, (N, L, 3), dtype=jnp.float32)
    mask_generate = jax.random.randint(k2, (N, L), 0, 2).astype(bool)
    t = jax.random.uniform(k3, (N,), dtype=jnp.float32)
    mask_template_generate = jnp.ones((N, L), dtype=bool)
    p_template = jax.random.normal(k4, (N, L, 3), dtype=jnp.float32)
    template_enable = jax.random.randint(k5, (N,), 0, 2).astype(bool)
    return {"p_0": p_0, "mask_generate": mask_generate, "t": t,
            "mask_template_generate": mask_template_generate,
            "p_template": p_template, "template_enable": template_enable}

def _masked_scatter(target, mask2_flat, source_vals_flat, mask1_flat):
    # torch masked_select: elements of source where mask1 (flat, row-major order)
    order = jnp.argsort(jnp.logical_not(mask1_flat))  # stable: selected (True->0) first, original order kept
    source_full = source_vals_flat[order]
    # torch masked_scatter: k-th True position in mask2 gets source_full[k]
    k2 = jnp.cumsum(mask2_flat.astype(jnp.int32)) - 1
    gathered = source_full[jnp.clip(k2, 0, source_full.shape[0] - 1)]
    return jnp.where(mask2_flat, gathered, target.reshape(-1)).reshape(target.shape)

def _core(p_0, t, p_template, mask_generate, mask_template_generate, template_enable, e1, e2):
    mg3 = jnp.broadcast_to(mask_generate[..., None], p_0.shape)
    te = template_enable[:, None, None]
    mask1 = jnp.broadcast_to(jnp.logical_and(mask_template_generate[..., None], te), p_0.shape)
    mask2 = jnp.logical_and(mg3, jnp.broadcast_to(te, p_0.shape))
    p_init_template = _masked_scatter(p_0, mask2.reshape(-1), p_template.reshape(-1), mask1.reshape(-1))
    p_init_template = e1 + p_init_template
    p_init_template = jnp.where(mg3, p_init_template, p_0)
    aa_mask = jnp.logical_not(jnp.sqrt(jnp.sum(p_0 * p_0, axis=-1)) == 0)
    context_mask = jnp.logical_and(aa_mask, jnp.logical_not(mask_generate))
    p_avg = (p_0 * context_mask[:, :, None]).sum(axis=1) / context_mask.sum(axis=1)[:, None]
    p_init = e2 + jax.lax.stop_gradient(p_avg)[:, None, :]
    p_init = jnp.where(mg3, p_init, p_0)
    p_init = jnp.where(te, p_init_template, p_init)
    p_interp = t[:, None, None] * p_0 + (1.0 - t[:, None, None]) * p_init
    return p_interp, p_init

def reference(p_0, mask_generate, t, mask_template_generate, p_template, template_enable):
    kr = jax.random.key(1)
    e1 = jax.random.normal(jax.random.fold_in(kr, 1), p_0.shape, dtype=p_0.dtype)
    e2 = jax.random.normal(jax.random.fold_in(kr, 2), p_0.shape, dtype=p_0.dtype)
    return _core(p_0, t, p_template, mask_generate, mask_template_generate, template_enable, e1, e2)

if __name__ == "__main__":
    import jax
    _d = setup_inputs()
    print(jax.jit(kernel)(*tuple(_d.values())))

</pallas_src>

<mosaic_0001>
#map = affine_map<(d0, d1) -> (0, 0)>
#map1 = affine_map<(d0, d1) -> (0)>
module attributes {stable_mosaic.version = 14 : i64} {
  func.func @_main_body(%arg0: i32, %arg1: i32, %arg2: memref<32x24576xf32, #tpu.memory_space<hbm>>, %arg3: memref<32x24576xf32, #tpu.memory_space<hbm>>, %arg4: memref<32x24576xf32, #tpu.memory_space<hbm>>, %arg5: memref<32x24576xf32, #tpu.memory_space<hbm>>, %arg6: memref<32x8192xi32, #tpu.memory_space<hbm>>, %arg7: memref<32xi32, #tpu.memory_space<hbm>>, %arg8: memref<32xf32, #tpu.memory_space<hbm>>, %arg9: memref<32x24576xf32, #tpu.memory_space<hbm>>, %arg10: memref<32x24576xf32, #tpu.memory_space<hbm>>, %arg11: memref<8192xi32, #tpu.memory_space<vmem>>, %arg12: memref<24576xf32, #tpu.memory_space<vmem>>, %arg13: memref<24576xf32, #tpu.memory_space<vmem>>, %arg14: memref<24576xf32, #tpu.memory_space<vmem>>, %arg15: memref<6144xf32, #tpu.memory_space<vmem>>, %arg16: memref<6144xf32, #tpu.memory_space<vmem>>, %arg17: memref<6144xf32, #tpu.memory_space<vmem>>, %arg18: memref<512xi32, #tpu.memory_space<vmem>>, %arg19: memref<32xi32, #tpu.memory_space<vmem>>, %arg20: memref<32xf32, #tpu.memory_space<vmem>>, %arg21: memref<16xi32, #tpu.memory_space<vmem>>, %arg22: memref<512xi32, #tpu.memory_space<vmem_shared>>) attributes {dimension_semantics = [#tpu.dimension_semantics<core_parallel>, #tpu.dimension_semantics<subcore_parallel>], iteration_bounds = array<i64: 2, 16>, scalar_prefetch = 0 : i64, scratch_operands = 12 : i64, tpu.core_type = #tpu.core_type<sc_vector_subcore>, window_params = [{transform_indices = #map}, {transform_indices = #map}, {transform_indices = #map}, {transform_indices = #map}, {transform_indices = #map}, {transform_indices = #map1}, {transform_indices = #map1}, {transform_indices = #map}, {transform_indices = #map}]} {
    %mul3A = arith.constant 16 : i32
    %mul3A_0 = arith.muli %arg0, %mul3A : i32
    %add3A = arith.addi %mul3A_0, %arg1 : i32
    %eq3A = arith.constant 1 : i32
    %eq3A_1 = arith.cmpi eq, %arg0, %eq3A : i32
    %add3A_2 = arith.constant 16 : i32
    %add3A_3 = arith.addi %arg1, %add3A_2 : i32
    %select_n3A = arith.select %eq3A_1, %arg1, %add3A_3 : i32
    %eq3A_4 = arith.constant 1 : i32
    %eq3A_5 = arith.cmpi eq, %arg0, %eq3A_4 : i32
    %add3A_6 = arith.constant 16 : i32
    %add3A_7 = arith.addi %arg1, %add3A_6 : i32
    %select_n3A_8 = arith.select %eq3A_5, %add3A_7, %arg1 : i32
    "tpu.region"() ({
      %run_scoped3A = tpu.sem_alloc : memref<!tpu.dma_semaphore, #tpu.memory_space<semaphore_mem>>
      %dma_start3A = arith.constant 0 : i32
      %dma_start3A_105 = tpu.memref_slice %arg6[%select_n3A, %dma_start3A] : memref<32x8192xi32, #tpu.memory_space<hbm>> -> memref<1x8192xi32, #tpu.memory_space<hbm>>
      %dma_start3A_106 = tpu.memref_squeeze %dma_start3A_105 : memref<1x8192xi32, #tpu.memory_space<hbm>> -> memref<8192xi32, #tpu.memory_space<hbm>>
      %dma_start3A_107 = arith.constant 0 : i32
      %dma_start3A_108 = tpu.memref_slice %arg6[%select_n3A, %dma_start3A_107] : memref<32x8192xi32, #tpu.memory_space<hbm>> -> memref<1x8192xi32, #tpu.memory_space<hbm>>
      %dma_start3A_109 = tpu.memref_squeeze %dma_start3A_108 : memref<1x8192xi32, #tpu.memory_space<hbm>> -> memref<8192xi32, #tpu.memory_space<hbm>>
      tpu.enqueue_dma source(%dma_start3A_109 : memref<8192xi32, #tpu.memory_space<hbm>>) target(%arg11 : memref<8192xi32, #tpu.memory_space<vmem>>) target_semaphore(%run_scoped3A : memref<!tpu.dma_semaphore, #tpu.memory_space<semaphore_mem>>)
      %dma_wait3A = arith.constant 0 : i32
      %dma_wait3A_110 = tpu.memref_slice %arg6[%select_n3A, %dma_wait3A] : memref<32x8192xi32, #tpu.memory_space<hbm>> -> memref<1x8192xi32, #tpu.memory_space<hbm>>
      %dma_wait3A_111 = tpu.memref_squeeze %dma_wait3A_110 : memref<1x8192xi32, #tpu.memory_space<hbm>> -> memref<8192xi32, #tpu.memory_space<hbm>>
      %dma_wait3A_112 = arith.constant 0 : i32
      %dma_wait3A_113 = tpu.memref_slice %arg6[%select_n3A, %dma_wait3A_112] : memref<32x8192xi32, #tpu.memory_space<hbm>> -> memref<1x8192xi32, #tpu.memory_space<hbm>>
      %dma_wait3A_114 = tpu.memref_squeeze %dma_wait3A_113 : memref<1x8192xi32, #tpu.memory_space<hbm>> -> memref<8192xi32, #tpu.memory_space<hbm>>
      tpu.wait_dma2 semaphore(%run_scoped3A : memref<!tpu.dma_semaphore, #tpu.memory_space<semaphore_mem>>) src(%dma_wait3A_114 : memref<8192xi32, #tpu.memory_space<hbm>>) dst(%arg11 : memref<8192xi32, #tpu.memory_space<vmem>>)
      tpu.yield
    }) : () -> ()
    %broadcast_in_dim3A = arith.constant 0 : i32
    %broadcast_in_dim3A_9 = vector.broadcast %broadcast_in_dim3A : i32 to vector<16xi32>
    %scan3A = arith.constant 0 : i32
    %scan3A_10 = arith.constant 512 : i32
    %scan3A_11 = arith.addi %scan3A, %scan3A_10 : i32
    %scan3A_12 = arith.constant 1 : i32
    %scan3A_13 = scf.for %scan3A_105 = %scan3A to %scan3A_11 step %scan3A_12 iter_args(%scan3A_106 = %broadcast_in_dim3A_9) -> (vector<16xi32>)  : i32 {
      %mul3A_107 = arith.constant 16 : i32
      %mul3A_108 = arith.muli %scan3A_105, %mul3A_107 : i32
      %get3A_109 = arith.index_cast %mul3A_108 : i32 to index
      %get3A_110 = tpu.vector_load %arg11[%get3A_109] {strides = array<i32>} : memref<8192xi32, #tpu.memory_space<vmem>>, vector<16xi32>,
      %add3A_111 = arith.addi %scan3A_106, %get3A_110 : vector<16xi32>
      scf.yield %add3A_111 : vector<16xi32>
    }
    %scan3A_14 = arith.constant 512 : i32
    %reduce_sum3A = arith.constant true
    %reduce_sum3A_15 = vector.broadcast %reduce_sum3A : i1 to vector<16xi1>
    %reduce_sum3A_16 = tpu.scan <sum>, %scan3A_13 masked %reduce_sum3A_15 : vector<16xi32>, vector<16xi1> -> vector<16xi32>
    %reduce_sum3A_17 = vector.extract %reduce_sum3A_16[15] : i32 from vector<16xi32>
    %broadcast_in_dim3A_18 = vector.broadcast %reduce_sum3A_17 : i32 to vector<16xi32>
    %swap3A = arith.constant 0 : index
    %swap3A_19 = tpu.vector_load %arg21[%swap3A] {strides = array<i32>} : memref<16xi32, #tpu.memory_space<vmem>>, vector<16xi32>,
    tpu.vector_store %arg21[%swap3A], %broadcast_in_dim3A_18 {strides = array<i32>} : memref<16xi32, #tpu.memory_space<vmem>>, vector<16xi32>,
    %mul3A_20 = arith.constant 16 : i32
    %mul3A_21 = arith.muli %select_n3A, %mul3A_20 : i32
    "tpu.region"() ({
      %run_scoped3A = tpu.sem_alloc : memref<!tpu.dma_semaphore, #tpu.memory_space<semaphore_mem>>
      %dma_start3A = tpu.memref_slice %arg22[%mul3A_21] : memref<512xi32, #tpu.memory_space<vmem_shared>> -> memref<16xi32, #tpu.memory_space<vmem_shared>>
      %dma_start3A_105 = tpu.memref_slice %arg22[%mul3A_21] : memref<512xi32, #tpu.memory_space<vmem_shared>> -> memref<16xi32, #tpu.memory_space<vmem_shared>>
      tpu.enqueue_dma source(%arg21 : memref<16xi32, #tpu.memory_space<vmem>>) target(%dma_start3A_105 : memref<16xi32, #tpu.memory_space<vmem_shared>>) target_semaphore(%run_scoped3A : memref<!tpu.dma_semaphore, #tpu.memory_space<semaphore_mem>>)
      %dma_wait3A = tpu.memref_slice %arg22[%mul3A_21] : memref<512xi32, #tpu.memory_space<vmem_shared>> -> memref<16xi32, #tpu.memory_space<vmem_shared>>
      %dma_wait3A_106 = tpu.memref_slice %arg22[%mul3A_21] : memref<512xi32, #tpu.memory_space<vmem_shared>> -> memref<16xi32, #tpu.memory_space<vmem_shared>>
      tpu.wait_dma2 semaphore(%run_scoped3A : memref<!tpu.dma_semaphore, #tpu.memory_space<semaphore_mem>>) src(%arg21 : memref<16xi32, #tpu.memory_space<vmem>>) dst(%dma_wait3A_106 : memref<16xi32, #tpu.memory_space<vmem_shared>>)
      tpu.yield
    }) : () -> ()
    "tpu.region"() ({
      %run_scoped3A = tpu.sem_alloc : memref<!tpu.dma_semaphore, #tpu.memory_space<semaphore_mem>>
      %dma_start3A = arith.constant 0 : i32
      %dma_start3A_105 = tpu.memref_slice %arg6[%select_n3A_8, %dma_start3A] : memref<32x8192xi32, #tpu.memory_space<hbm>> -> memref<1x8192xi32, #tpu.memory_space<hbm>>
      %dma_start3A_106 = tpu.memref_squeeze %dma_start3A_105 : memref<1x8192xi32, #tpu.memory_space<hbm>> -> memref<8192xi32, #tpu.memory_space<hbm>>
      %dma_start3A_107 = arith.constant 0 : i32
      %dma_start3A_108 = tpu.memref_slice %arg6[%select_n3A_8, %dma_start3A_107] : memref<32x8192xi32, #tpu.memory_space<hbm>> -> memref<1x8192xi32, #tpu.memory_space<hbm>>
      %dma_start3A_109 = tpu.memref_squeeze %dma_start3A_108 : memref<1x8192xi32, #tpu.memory_space<hbm>> -> memref<8192xi32, #tpu.memory_space<hbm>>
      tpu.enqueue_dma source(%dma_start3A_109 : memref<8192xi32, #tpu.memory_space<hbm>>) target(%arg11 : memref<8192xi32, #tpu.memory_space<vmem>>) target_semaphore(%run_scoped3A : memref<!tpu.dma_semaphore, #tpu.memory_space<semaphore_mem>>)
      %dma_wait3A = arith.constant 0 : i32
      %dma_wait3A_110 = tpu.memref_slice %arg6[%select_n3A_8, %dma_wait3A] : memref<32x8192xi32, #tpu.memory_space<hbm>> -> memref<1x8192xi32, #tpu.memory_space<hbm>>
      %dma_wait3A_111 = tpu.memref_squeeze %dma_wait3A_110 : memref<1x8192xi32, #tpu.memory_space<hbm>> -> memref<8192xi32, #tpu.memory_space<hbm>>
      %dma_wait3A_112 = arith.constant 0 : i32
      %dma_wait3A_113 = tpu.memref_slice %arg6[%select_n3A_8, %dma_wait3A_112] : memref<32x8192xi32, #tpu.memory_space<hbm>> -> memref<1x8192xi32, #tpu.memory_space<hbm>>
      %dma_wait3A_114 = tpu.memref_squeeze %dma_wait3A_113 : memref<1x8192xi32, #tpu.memory_space<hbm>> -> memref<8192xi32, #tpu.memory_space<hbm>>
      tpu.wait_dma2 semaphore(%run_scoped3A : memref<!tpu.dma_semaphore, #tpu.memory_space<semaphore_mem>>) src(%dma_wait3A_114 : memref<8192xi32, #tpu.memory_space<hbm>>) dst(%arg11 : memref<8192xi32, #tpu.memory_space<vmem>>)
      tpu.yield
    }) : () -> ()
    %broadcast_in_dim3A_22 = arith.constant 0 : i32
    %broadcast_in_dim3A_23 = vector.broadcast %broadcast_in_dim3A_22 : i32 to vector<16xi32>
    %scan3A_24 = arith.constant 0 : i32
    %scan3A_25 = arith.constant 512 : i32
    %scan3A_26 = arith.addi %scan3A_24, %scan3A_25 : i32
    %scan3A_27 = arith.constant 1 : i32
    %scan3A_28 = scf.for %scan3A_105 = %scan3A_24 to %scan3A_26 step %scan3A_27 iter_args(%scan3A_106 = %broadcast_in_dim3A_23) -> (vector<16xi32>)  : i32 {
      %mul3A_107 = arith.constant 16 : i32
      %mul3A_108 = arith.muli %scan3A_105, %mul3A_107 : i32
      %get3A_109 = arith.index_cast %mul3A_108 : i32 to index
      %get3A_110 = tpu.vector_load %arg11[%get3A_109] {strides = array<i32>} : memref<8192xi32, #tpu.memory_space<vmem>>, vector<16xi32>,
      %add3A_111 = arith.addi %scan3A_106, %get3A_110 : vector<16xi32>
      scf.yield %add3A_111 : vector<16xi32>
    }
    %scan3A_29 = arith.constant 512 : i32
    %reduce_sum3A_30 = arith.constant true
    %reduce_sum3A_31 = vector.broadcast %reduce_sum3A_30 : i1 to vector<16xi1>
    %reduce_sum3A_32 = tpu.scan <sum>, %scan3A_28 masked %reduce_sum3A_31 : vector<16xi32>, vector<16xi1> -> vector<16xi32>
    %reduce_sum3A_33 = vector.extract %reduce_sum3A_32[15] : i32 from vector<16xi32>
    %broadcast_in_dim3A_34 = vector.broadcast %reduce_sum3A_33 : i32 to vector<16xi32>
    %swap3A_35 = arith.constant 0 : index
    %swap3A_36 = tpu.vector_load %arg21[%swap3A_35] {strides = array<i32>} : memref<16xi32, #tpu.memory_space<vmem>>, vector<16xi32>,
    tpu.vector_store %arg21[%swap3A_35], %broadcast_in_dim3A_34 {strides = array<i32>} : memref<16xi32, #tpu.memory_space<vmem>>, vector<16xi32>,
    %mul3A_37 = arith.constant 16 : i32
    %mul3A_38 = arith.muli %select_n3A_8, %mul3A_37 : i32
    "tpu.region"() ({
      %run_scoped3A = tpu.sem_alloc : memref<!tpu.dma_semaphore, #tpu.memory_space<semaphore_mem>>
      %dma_start3A = tpu.memref_slice %arg22[%mul3A_38] : memref<512xi32, #tpu.memory_space<vmem_shared>> -> memref<16xi32, #tpu.memory_space<vmem_shared>>
      %dma_start3A_105 = tpu.memref_slice %arg22[%mul3A_38] : memref<512xi32, #tpu.memory_space<vmem_shared>> -> memref<16xi32, #tpu.memory_space<vmem_shared>>
      tpu.enqueue_dma source(%arg21 : memref<16xi32, #tpu.memory_space<vmem>>) target(%dma_start3A_105 : memref<16xi32, #tpu.memory_space<vmem_shared>>) target_semaphore(%run_scoped3A : memref<!tpu.dma_semaphore, #tpu.memory_space<semaphore_mem>>)
      %dma_wait3A = tpu.memref_slice %arg22[%mul3A_38] : memref<512xi32, #tpu.memory_space<vmem_shared>> -> memref<16xi32, #tpu.memory_space<vmem_shared>>
      %dma_wait3A_106 = tpu.memref_slice %arg22[%mul3A_38] : memref<512xi32, #tpu.memory_space<vmem_shared>> -> memref<16xi32, #tpu.memory_space<vmem_shared>>
      tpu.wait_dma2 semaphore(%run_scoped3A : memref<!tpu.dma_semaphore, #tpu.memory_space<semaphore_mem>>) src(%arg21 : memref<16xi32, #tpu.memory_space<vmem>>) dst(%dma_wait3A_106 : memref<16xi32, #tpu.memory_space<vmem_shared>>)
      tpu.yield
    }) : () -> ()
    %barrier3A = arith.constant 0 : index
    tpu.barrier barrier_id(%barrier3A)
    "tpu.region"() ({
      %run_scoped3A = tpu.sem_alloc : memref<!tpu.dma_semaphore, #tpu.memory_space<semaphore_mem>>
      tpu.enqueue_dma source(%arg22 : memref<512xi32, #tpu.memory_space<vmem_shared>>) target(%arg18 : memref<512xi32, #tpu.memory_space<vmem>>) target_semaphore(%run_scoped3A : memref<!tpu.dma_semaphore, #tpu.memory_space<semaphore_mem>>)
      tpu.wait_dma2 semaphore(%run_scoped3A : memref<!tpu.dma_semaphore, #tpu.memory_space<semaphore_mem>>) src(%arg22 : memref<512xi32, #tpu.memory_space<vmem_shared>>) dst(%arg18 : memref<512xi32, #tpu.memory_space<vmem>>)
      tpu.yield
    }) : () -> ()
    "tpu.region"() ({
      %run_scoped3A = tpu.sem_alloc : memref<!tpu.dma_semaphore, #tpu.memory_space<semaphore_mem>>
      %dma_start3A = arith.constant 0 : i32
      %dma_start3A_105 = tpu.memref_slice %arg2[%add3A, %dma_start3A] : memref<32x24576xf32, #tpu.memory_space<hbm>> -> memref<1x24576xf32, #tpu.memory_space<hbm>>
      %dma_start3A_106 = tpu.memref_squeeze %dma_start3A_105 : memref<1x24576xf32, #tpu.memory_space<hbm>> -> memref<24576xf32, #tpu.memory_space<hbm>>
      %dma_start3A_107 = arith.constant 0 : i32
      %dma_start3A_108 = tpu.memref_slice %arg2[%add3A, %dma_start3A_107] : memref<32x24576xf32, #tpu.memory_space<hbm>> -> memref<1x24576xf32, #tpu.memory_space<hbm>>
      %dma_start3A_109 = tpu.memref_squeeze %dma_start3A_108 : memref<1x24576xf32, #tpu.memory_space<hbm>> -> memref<24576xf32, #tpu.memory_space<hbm>>
      tpu.enqueue_dma source(%dma_start3A_109 : memref<24576xf32, #tpu.memory_space<hbm>>) target(%arg12 : memref<24576xf32, #tpu.memory_space<vmem>>) target_semaphore(%run_scoped3A : memref<!tpu.dma_semaphore, #tpu.memory_space<semaphore_mem>>)
      %dma_wait3A = arith.constant 0 : i32
      %dma_wait3A_110 = tpu.memref_slice %arg2[%add3A, %dma_wait3A] : memref<32x24576xf32, #tpu.memory_space<hbm>> -> memref<1x24576xf32, #tpu.memory_space<hbm>>
      %dma_wait3A_111 = tpu.memref_squeeze %dma_wait3A_110 : memref<1x24576xf32, #tpu.memory_space<hbm>> -> memref<24576xf32, #tpu.memory_space<hbm>>
      %dma_wait3A_112 = arith.constant 0 : i32
      %dma_wait3A_113 = tpu.memref_slice %arg2[%add3A, %dma_wait3A_112] : memref<32x24576xf32, #tpu.memory_space<hbm>> -> memref<1x24576xf32, #tpu.memory_space<hbm>>
      %dma_wait3A_114 = tpu.memref_squeeze %dma_wait3A_113 : memref<1x24576xf32, #tpu.memory_space<hbm>> -> memref<24576xf32, #tpu.memory_space<hbm>>
      tpu.wait_dma2 semaphore(%run_scoped3A : memref<!tpu.dma_semaphore, #tpu.memory_space<semaphore_mem>>) src(%dma_wait3A_114 : memref<24576xf32, #tpu.memory_space<hbm>>) dst(%arg12 : memref<24576xf32, #tpu.memory_space<vmem>>)
      tpu.yield
    }) : () -> ()
    "tpu.region"() ({
      %run_scoped3A = tpu.sem_alloc : memref<!tpu.dma_semaphore, #tpu.memory_space<semaphore_mem>>
      tpu.enqueue_dma source(%arg7 : memref<32xi32, #tpu.memory_space<hbm>>) target(%arg19 : memref<32xi32, #tpu.memory_space<vmem>>) target_semaphore(%run_scoped3A : memref<!tpu.dma_semaphore, #tpu.memory_space<semaphore_mem>>)
      tpu.wait_dma2 semaphore(%run_scoped3A : memref<!tpu.dma_semaphore, #tpu.memory_space<semaphore_mem>>) src(%arg7 : memref<32xi32, #tpu.memory_space<hbm>>) dst(%arg19 : memref<32xi32, #tpu.memory_space<vmem>>)
      tpu.yield
    }) : () -> ()
    "tpu.region"() ({
      %run_scoped3A = tpu.sem_alloc : memref<!tpu.dma_semaphore, #tpu.memory_space<semaphore_mem>>
      tpu.enqueue_dma source(%arg8 : memref<32xf32, #tpu.memory_space<hbm>>) target(%arg20 : memref<32xf32, #tpu.memory_space<vmem>>) target_semaphore(%run_scoped3A : memref<!tpu.dma_semaphore, #tpu.memory_space<semaphore_mem>>)
      tpu.wait_dma2 semaphore(%run_scoped3A : memref<!tpu.dma_semaphore, #tpu.memory_space<semaphore_mem>>) src(%arg8 : memref<32xf32, #tpu.memory_space<hbm>>) dst(%arg20 : memref<32xf32, #tpu.memory_space<vmem>>)
      tpu.yield
    }) : () -> ()
    %iota3A = tpu.iota {dimensions = array<i32: 0>} : vector<16xi32>
    %mul3A_39 = arith.constant 3 : i32
    %mul3A_40 = vector.broadcast %mul3A_39 : i32 to vector<16xi32>
    %mul3A_41 = arith.muli %iota3A, %mul3A_40 : vector<16xi32>
    %broadcast_in_dim3A_42 = arith.constant 0 : i32
    %broadcast_in_dim3A_43 = vector.broadcast %broadcast_in_dim3A_42 : i32 to vector<16xi32>
    %broadcast_in_dim3A_44 = arith.constant 0.000000e+00 : f32
    %broadcast_in_dim3A_45 = vector.broadcast %broadcast_in_dim3A_44 : f32 to vector<16xf32>
    %add3A_46 = arith.constant 0 : i32
    %add3A_47 = vector.broadcast %add3A_46 : i32 to vector<16xi32>
    %add3A_48 = arith.addi %iota3A, %add3A_47 : vector<16xi32>
    %get3A = arith.constant 0 : index
    %get3A_49 = tpu.vector_load %arg19[%get3A] {strides = array<i32>} : memref<32xi32, #tpu.memory_space<vmem>>, vector<16xi32>,
    %mul3A_50 = arith.constant 16 : i32
    %mul3A_51 = vector.broadcast %mul3A_50 : i32 to vector<16xi32>
    %mul3A_52 = arith.muli %add3A_48, %mul3A_51 : vector<16xi32>
    %gather3A = tpu.vector_load_idx %arg18[%mul3A_52] : memref<512xi32, #tpu.memory_space<vmem>>[vector<16xi32>], vector<16xi32>,
    %get3A_53 = arith.constant 0 : index
    %get3A_54 = tpu.vector_load %arg20[%get3A_53] {strides = array<i32>} : memref<32xf32, #tpu.memory_space<vmem>>, vector<16xf32>,
    %add3A_55 = arith.constant 16 : i32
    %add3A_56 = vector.broadcast %add3A_55 : i32 to vector<16xi32>
    %add3A_57 = arith.addi %iota3A, %add3A_56 : vector<16xi32>
    %get3A_58 = arith.constant 16 : index
    %get3A_59 = tpu.vector_load %arg19[%get3A_58] {strides = array<i32>} : memref<32xi32, #tpu.memory_space<vmem>>, vector<16xi32>,
    %mul3A_60 = arith.constant 16 : i32
    %mul3A_61 = vector.broadcast %mul3A_60 : i32 to vector<16xi32>
    %mul3A_62 = arith.muli %add3A_57, %mul3A_61 : vector<16xi32>
    %gather3A_63 = tpu.vector_load_idx %arg18[%mul3A_62] : memref<512xi32, #tpu.memory_space<vmem>>[vector<16xi32>], vector<16xi32>,
    %get3A_64 = arith.constant 16 : index
    %get3A_65 = tpu.vector_load %arg20[%get3A_64] {strides = array<i32>} : memref<32xf32, #tpu.memory_space<vmem>>, vector<16xf32>,
    %eq3A_66 = vector.broadcast %add3A : i32 to vector<16xi32>
    %eq3A_67 = arith.cmpi eq, %add3A_48, %eq3A_66 : vector<16xi32>
    %select_n3A_68 = arith.select %eq3A_67, %get3A_49, %broadcast_in_dim3A_43 : vector<16xi1>, vector<16xi32>
    %reduce_sum3A_69 = arith.constant true
    %reduce_sum3A_70 = vector.broadcast %reduce_sum3A_69 : i1 to vector<16xi1>
    %reduce_sum3A_71 = tpu.scan <sum>, %select_n3A_68 masked %reduce_sum3A_70 : vector<16xi32>, vector<16xi1> -> vector<16xi32>
    %reduce_sum3A_72 = vector.extract %reduce_sum3A_71[15] : i32 from vector<16xi32>
    %add3A_73 = arith.constant 0 : i32
    %add3A_74 = arith.addi %add3A_73, %reduce_sum3A_72 : i32
    %select_n3A_75 = arith.select %eq3A_67, %get3A_54, %broadcast_in_dim3A_45 : vector<16xi1>, vector<16xf32>
    %reduce_sum3A_76 = arith.constant true
    %reduce_sum3A_77 = vector.broadcast %reduce_sum3A_76 : i1 to vector<16xi1>
    %reduce_sum3A_78 = tpu.scan <sum>, %select_n3A_75 masked %reduce_sum3A_77 : vector<16xf32>, vector<16xi1> -> vector<16xf32>
    %reduce_sum3A_79 = vector.extract %reduce_sum3A_78[15] : f32 from vector<16xf32>
    %add3A_80 = arith.constant 0.000000e+00 : f32
    %add3A_81 = arith.addf %add3A_80, %reduce_sum3A_79 : f32
    %eq3A_82 = vector.broadcast %add3A : i32 to vector<16xi32>
    %eq3A_83 = arith.cmpi eq, %add3A_57, %eq3A_82 : vector<16xi32>
    %select_n3A_84 = arith.select %eq3A_83, %get3A_59, %broadcast_in_dim3A_43 : vector<16xi1>, vector<16xi32>
    %reduce_sum3A_85 = arith.constant true
    %reduce_sum3A_86 = vector.broadcast %reduce_sum3A_85 : i1 to vector<16xi1>
    %reduce_sum3A_87 = tpu.scan <sum>, %select_n3A_84 masked %reduce_sum3A_86 : vector<16xi32>, vector<16xi1> -> vector<16xi32>
    %reduce_sum3A_88 = vector.extract %reduce_sum3A_87[15] : i32 from vector<16xi32>
    %add3A_89 = arith.addi %add3A_74, %reduce_sum3A_88 : i32
    %select_n3A_90 = arith.select %eq3A_83, %get3A_65, %broadcast_in_dim3A_45 : vector<16xi1>, vector<16xf32>
    %reduce_sum3A_91 = arith.constant true
    %reduce_sum3A_92 = vector.broadcast %reduce_sum3A_91 : i1 to vector<16xi1>
    %reduce_sum3A_93 = tpu.scan <sum>, %select_n3A_90 masked %reduce_sum3A_92 : vector<16xf32>, vector<16xi1> -> vector<16xf32>
    %reduce_sum3A_94 = vector.extract %reduce_sum3A_93[15] : f32 from vector<16xf32>
    %add3A_95 = arith.addf %add3A_81, %reduce_sum3A_94 : f32
    %ne3A = arith.constant 0 : i32
    %ne3A_96 = arith.cmpi ne, %add3A_89, %ne3A : i32
    %broadcast_in_dim3A_97 = vector.broadcast %add3A_95 : f32 to vector<16xf32>
    %broadcast_in_dim3A_98 = arith.constant 1.000000e+00 : f32
    %broadcast_in_dim3A_99 = vector.broadcast %broadcast_in_dim3A_98 : f32 to vector<16xf32>
    %sub3A = arith.subf %broadcast_in_dim3A_99, %broadcast_in_dim3A_97 : vector<16xf32>
    %convert_element_type3A = arith.extui %ne3A_96 : i1 to i32
    %cond3A = arith.constant 0 : i32
    %cond3A_100 = arith.cmpi ne, %convert_element_type3A, %cond3A : i32
    scf.if %cond3A_100 {
      %lt3A = vector.broadcast %add3A : i32 to vector<16xi32>
      %lt3A_105 = arith.cmpi slt, %add3A_48, %lt3A : vector<16xi32>
      %ne3A_106 = arith.constant 0 : i32
      %ne3A_107 = vector.broadcast %ne3A_106 : i32 to vector<16xi32>
      %ne3A_108 = arith.cmpi ne, %get3A_49, %ne3A_107 : vector<16xi32>
      %and3A = arith.andi %lt3A_105, %ne3A_108 : vector<16xi1>
      %select_n3A_109 = arith.select %and3A, %gather3A, %broadcast_in_dim3A_43 : vector<16xi1>, vector<16xi32>
      %reduce_sum3A_110 = arith.constant true
      %reduce_sum3A_111 = vector.broadcast %reduce_sum3A_110 : i1 to vector<16xi1>
      %reduce_sum3A_112 = tpu.scan <sum>, %select_n3A_109 masked %reduce_sum3A_111 : vector<16xi32>, vector<16xi1> -> vector<16xi32>
      %reduce_sum3A_113 = vector.extract %reduce_sum3A_112[15] : i32 from vector<16xi32>
      %add3A_114 = arith.constant 0 : i32
      %add3A_115 = arith.addi %add3A_114, %reduce_sum3A_113 : i32
      %ne3A_116 = arith.constant 0 : i32
      %ne3A_117 = vector.broadcast %ne3A_116 : i32 to vector<16xi32>
      %ne3A_118 = arith.cmpi ne, %get3A_49, %ne3A_117 : vector<16xi32>
      %jit3A = arith.constant 1 : i32
      %broadcast_in_dim3A_119 = vector.broadcast %jit3A : i32 to vector<16xi32>
      %select_n3A_120 = arith.select %ne3A_118, %broadcast_in_dim3A_119, %broadcast_in_dim3A_43 : vector<16xi1>, vector<16xi32>
      %reduce_sum3A_121 = arith.constant true
      %reduce_sum3A_122 = vector.broadcast %reduce_sum3A_121 : i1 to vector<16xi1>
      %reduce_sum3A_123 = tpu.scan <sum>, %select_n3A_120 masked %reduce_sum3A_122 : vector<16xi32>, vector<16xi1> -> vector<16xi32>
      %reduce_sum3A_124 = vector.extract %reduce_sum3A_123[15] : i32 from vector<16xi32>
      %add3A_125 = arith.constant 0 : i32
      %add3A_126 = arith.addi %add3A_125, %reduce_sum3A_124 : i32
      %lt3A_127 = vector.broadcast %add3A : i32 to vector<16xi32>
      %lt3A_128 = arith.cmpi slt, %add3A_57, %lt3A_127 : vector<16xi32>
      %ne3A_129 = arith.constant 0 : i32
      %ne3A_130 = vector.broadcast %ne3A_129 : i32 to vector<16xi32>
      %ne3A_131 = arith.cmpi ne, %get3A_59, %ne3A_130 : vector<16xi32>
      %and3A_132 = arith.andi %lt3A_128, %ne3A_131 : vector<16xi1>
      %select_n3A_133 = arith.select %and3A_132, %gather3A_63, %broadcast_in_dim3A_43 : vector<16xi1>, vector<16xi32>
      %reduce_sum3A_134 = arith.constant true
      %reduce_sum3A_135 = vector.broadcast %reduce_sum3A_134 : i1 to vector<16xi1>
      %reduce_sum3A_136 = tpu.scan <sum>, %select_n3A_133 masked %reduce_sum3A_135 : vector<16xi32>, vector<16xi1> -> vector<16xi32>
      %reduce_sum3A_137 = vector.extract %reduce_sum3A_136[15] : i32 from vector<16xi32>
      %add3A_138 = arith.addi %add3A_115, %reduce_sum3A_137 : i32
      %ne3A_139 = arith.constant 0 : i32
      %ne3A_140 = vector.broadcast %ne3A_139 : i32 to vector<16xi32>
      %ne3A_141 = arith.cmpi ne, %get3A_59, %ne3A_140 : vector<16xi32>
      %jit3A_142 = arith.constant 1 : i32
      %broadcast_in_dim3A_143 = vector.broadcast %jit3A_142 : i32 to vector<16xi32>
      %select_n3A_144 = arith.select %ne3A_141, %broadcast_in_dim3A_143, %broadcast_in_dim3A_43 : vector<16xi1>, vector<16xi32>
      %reduce_sum3A_145 = arith.constant true
      %reduce_sum3A_146 = vector.broadcast %reduce_sum3A_145 : i1 to vector<16xi1>
      %reduce_sum3A_147 = tpu.scan <sum>, %select_n3A_144 masked %reduce_sum3A_146 : vector<16xi32>, vector<16xi1> -> vector<16xi32>
      %reduce_sum3A_148 = vector.extract %reduce_sum3A_147[15] : i32 from vector<16xi32>
      %add3A_149 = arith.addi %add3A_126, %reduce_sum3A_148 : i32
      %jit3A_150 = arith.constant 8192 : i32
      %div3A = arith.divsi %add3A_138, %jit3A_150 : i32
      %sign3A = arith.constant 0 : i32
      %sign3A_151 = arith.cmpi sgt, %add3A_138, %sign3A : i32
      %sign3A_152 = arith.extui %sign3A_151 : i1 to i32
      %sign3A_153 = arith.constant 0 : i32
      %sign3A_154 = arith.cmpi slt, %add3A_138, %sign3A_153 : i32
      %sign3A_155 = arith.extui %sign3A_154 : i1 to i32
      %sign3A_156 = arith.subi %sign3A_152, %sign3A_155 : i32
      %sign3A_157 = arith.constant 0 : i32
      %sign3A_158 = arith.cmpi sgt, %jit3A_150, %sign3A_157 : i32
      %sign3A_159 = arith.extui %sign3A_158 : i1 to i32
      %sign3A_160 = arith.constant 0 : i32
      %sign3A_161 = arith.cmpi slt, %jit3A_150, %sign3A_160 : i32
      %sign3A_162 = arith.extui %sign3A_161 : i1 to i32
      %sign3A_163 = arith.subi %sign3A_159, %sign3A_162 : i32
      %ne3A_164 = arith.cmpi ne, %sign3A_156, %sign3A_163 : i32
      %rem3A = arith.remsi %add3A_138, %jit3A_150 : i32
      %ne3A_165 = arith.constant 0 : i32
      %ne3A_166 = arith.cmpi ne, %rem3A, %ne3A_165 : i32
      %and3A_167 = arith.andi %ne3A_164, %ne3A_166 : i1
      %sub3A_168 = arith.constant 1 : i32
      %sub3A_169 = arith.subi %div3A, %sub3A_168 : i32
      %select_n3A_170 = arith.select %and3A_167, %sub3A_169, %div3A : i32
      %ne3A_171 = arith.constant 0 : i32
      %ne3A_172 = vector.broadcast %ne3A_171 : i32 to vector<16xi32>
      %ne3A_173 = arith.cmpi ne, %get3A_49, %ne3A_172 : vector<16xi32>
      %broadcast_in_dim3A_174 = arith.constant true
      %broadcast_in_dim3A_175 = vector.broadcast %broadcast_in_dim3A_174 : i1 to vector<16xi1>
      %masked_cumsum3A = tpu.scan <sum>, %get3A_49 masked %broadcast_in_dim3A_175 : vector<16xi32>, vector<16xi1> -> vector<16xi32>
      %sub3A_176 = arith.subi %masked_cumsum3A, %get3A_49 : vector<16xi32>
      %add3A_177 = arith.constant 0 : i32
      %add3A_178 = vector.broadcast %add3A_177 : i32 to vector<16xi32>
      %add3A_179 = arith.addi %sub3A_176, %add3A_178 : vector<16xi32>
      %eq3A_180 = vector.broadcast %select_n3A_170 : i32 to vector<16xi32>
      %eq3A_181 = arith.cmpi eq, %add3A_179, %eq3A_180 : vector<16xi32>
      %and3A_182 = arith.andi %ne3A_173, %eq3A_181 : vector<16xi1>
      %select_n3A_183 = arith.select %and3A_182, %add3A_48, %broadcast_in_dim3A_43 : vector<16xi1>, vector<16xi32>
      %reduce_sum3A_184 = arith.constant true
      %reduce_sum3A_185 = vector.broadcast %reduce_sum3A_184 : i1 to vector<16xi1>
      %reduce_sum3A_186 = tpu.scan <sum>, %select_n3A_183 masked %reduce_sum3A_185 : vector<16xi32>, vector<16xi1> -> vector<16xi32>
      %reduce_sum3A_187 = vector.extract %reduce_sum3A_186[15] : i32 from vector<16xi32>
      %add3A_188 = arith.constant 0 : i32
      %add3A_189 = arith.addi %add3A_188, %reduce_sum3A_187 : i32
      %add3A_190 = arith.constant 1 : i32
      %add3A_191 = arith.addi %select_n3A_170, %add3A_190 : i32
      %eq3A_192 = vector.broadcast %add3A_191 : i32 to vector<16xi32>
      %eq3A_193 = arith.cmpi eq, %add3A_179, %eq3A_192 : vector<16xi32>
      %and3A_194 = arith.andi %ne3A_173, %eq3A_193 : vector<16xi1>
      %select_n3A_195 = arith.select %and3A_194, %add3A_48, %broadcast_in_dim3A_43 : vector<16xi1>, vector<16xi32>
      %reduce_sum3A_196 = arith.constant true
      %reduce_sum3A_197 = vector.broadcast %reduce_sum3A_196 : i1 to vector<16xi1>
      %reduce_sum3A_198 = tpu.scan <sum>, %select_n3A_195 masked %reduce_sum3A_197 : vector<16xi32>, vector<16xi1> -> vector<16xi32>
      %reduce_sum3A_199 = vector.extract %reduce_sum3A_198[15] : i32 from vector<16xi32>
      %add3A_200 = arith.constant 0 : i32
      %add3A_201 = arith.addi %add3A_200, %reduce_sum3A_199 : i32
      %select_n3A_202 = arith.select %ne3A_173, %add3A_48, %broadcast_in_dim3A_43 : vector<16xi1>, vector<16xi32>
      %reduce_max3A = arith.constant true
      %reduce_max3A_203 = vector.broadcast %reduce_max3A : i1 to vector<16xi1>
      %reduce_max3A_204 = arith.constant -2147483648 : i32
      %reduce_max3A_205 = vector.broadcast %reduce_max3A_204 : i32 to vector<16xi32>
      %reduce_max3A_206 = arith.xori %select_n3A_202, %reduce_max3A_205 : vector<16xi32>
      %reduce_max3A_207 = tpu.scan <max>, %reduce_max3A_206 masked %reduce_max3A_203 : vector<16xi32>, vector<16xi1> -> vector<16xi32>
      %reduce_max3A_208 = arith.xori %reduce_max3A_207, %reduce_max3A_205 : vector<16xi32>
      %reduce_max3A_209 = vector.extract %reduce_max3A_208[15] : i32 from vector<16xi32>
      %max3A = arith.constant 0 : i32
      %max3A_210 = arith.maxsi %max3A, %reduce_max3A_209 : i32
      %reduce_sum3A_211 = arith.constant true
      %reduce_sum3A_212 = vector.broadcast %reduce_sum3A_211 : i1 to vector<16xi1>
      %reduce_sum3A_213 = tpu.scan <sum>, %get3A_49 masked %reduce_sum3A_212 : vector<16xi32>, vector<16xi1> -> vector<16xi32>
      %reduce_sum3A_214 = vector.extract %reduce_sum3A_213[15] : i32 from vector<16xi32>
      %add3A_215 = arith.constant 0 : i32
      %add3A_216 = arith.addi %add3A_215, %reduce_sum3A_214 : i32
      %ne3A_217 = arith.constant 0 : i32
      %ne3A_218 = vector.broadcast %ne3A_217 : i32 to vector<16xi32>
      %ne3A_219 = arith.cmpi ne, %get3A_59, %ne3A_218 : vector<16xi32>
      %broadcast_in_dim3A_220 = arith.constant true
      %broadcast_in_dim3A_221 = vector.broadcast %broadcast_in_dim3A_220 : i1 to vector<16xi1>
      %masked_cumsum3A_222 = tpu.scan <sum>, %get3A_59 masked %broadcast_in_dim3A_221 : vector<16xi32>, vector<16xi1> -> vector<16xi32>
      %sub3A_223 = arith.subi %masked_cumsum3A_222, %get3A_59 : vector<16xi32>
      %add3A_224 = vector.broadcast %add3A_216 : i32 to vector<16xi32>
      %add3A_225 = arith.addi %sub3A_223, %add3A_224 : vector<16xi32>
      %eq3A_226 = vector.broadcast %select_n3A_170 : i32 to vector<16xi32>
      %eq3A_227 = arith.cmpi eq, %add3A_225, %eq3A_226 : vector<16xi32>
      %and3A_228 = arith.andi %ne3A_219, %eq3A_227 : vector<16xi1>
      %select_n3A_229 = arith.select %and3A_228, %add3A_57, %broadcast_in_dim3A_43 : vector<16xi1>, vector<16xi32>
      %reduce_sum3A_230 = arith.constant true
      %reduce_sum3A_231 = vector.broadcast %reduce_sum3A_230 : i1 to vector<16xi1>
      %reduce_sum3A_232 = tpu.scan <sum>, %select_n3A_229 masked %reduce_sum3A_231 : vector<16xi32>, vector<16xi1> -> vector<16xi32>
      %reduce_sum3A_233 = vector.extract %reduce_sum3A_232[15] : i32 from vector<16xi32>
      %add3A_234 = arith.addi %add3A_189, %reduce_sum3A_233 : i32
      %add3A_235 = arith.constant 1 : i32
      %add3A_236 = arith.addi %select_n3A_170, %add3A_235 : i32
      %eq3A_237 = vector.broadcast %add3A_236 : i32 to vector<16xi32>
      %eq3A_238 = arith.cmpi eq, %add3A_225, %eq3A_237 : vector<16xi32>
      %and3A_239 = arith.andi %ne3A_219, %eq3A_238 : vector<16xi1>
      %select_n3A_240 = arith.select %and3A_239, %add3A_57, %broadcast_in_dim3A_43 : vector<16xi1>, vector<16xi32>
      %reduce_sum3A_241 = arith.constant true
      %reduce_sum3A_242 = vector.broadcast %reduce_sum3A_241 : i1 to vector<16xi1>
      %reduce_sum3A_243 = tpu.scan <sum>, %select_n3A_240 masked %reduce_sum3A_242 : vector<16xi32>, vector<16xi1> -> vector<16xi32>
      %reduce_sum3A_244 = vector.extract %reduce_sum3A_243[15] : i32 from vector<16xi32>
      %add3A_245 = arith.addi %add3A_201, %reduce_sum3A_244 : i32
      %select_n3A_246 = arith.select %ne3A_219, %add3A_57, %broadcast_in_dim3A_43 : vector<16xi1>, vector<16xi32>
      %reduce_max3A_247 = arith.constant true
      %reduce_max3A_248 = vector.broadcast %reduce_max3A_247 : i1 to vector<16xi1>
      %reduce_max3A_249 = arith.constant -2147483648 : i32
      %reduce_max3A_250 = vector.broadcast %reduce_max3A_249 : i32 to vector<16xi32>
      %reduce_max3A_251 = arith.xori %select_n3A_246, %reduce_max3A_250 : vector<16xi32>
      %reduce_max3A_252 = tpu.scan <max>, %reduce_max3A_251 masked %reduce_max3A_248 : vector<16xi32>, vector<16xi1> -> vector<16xi32>
      %reduce_max3A_253 = arith.xori %reduce_max3A_252, %reduce_max3A_250 : vector<16xi32>
      %reduce_max3A_254 = vector.extract %reduce_max3A_253[15] : i32 from vector<16xi32>
      %max3A_255 = arith.maxsi %max3A_210, %reduce_max3A_254 : i32
      %reduce_sum3A_256 = arith.constant true
      %reduce_sum3A_257 = vector.broadcast %reduce_sum3A_256 : i1 to vector<16xi1>
      %reduce_sum3A_258 = tpu.scan <sum>, %get3A_59 masked %reduce_sum3A_257 : vector<16xi32>, vector<16xi1> -> vector<16xi32>
      %reduce_sum3A_259 = vector.extract %reduce_sum3A_258[15] : i32 from vector<16xi32>
      %add3A_260 = arith.addi %add3A_216, %reduce_sum3A_259 : i32
      %lt3A_261 = arith.cmpi slt, %select_n3A_170, %add3A_149 : i32
      %select_n3A_262 = arith.select %lt3A_261, %add3A_234, %max3A_255 : i32
      %add3A_263 = arith.constant 1 : i32
      %add3A_264 = arith.addi %select_n3A_170, %add3A_263 : i32
      %lt3A_265 = arith.cmpi slt, %add3A_264, %add3A_149 : i32
      %select_n3A_266 = arith.select %lt3A_265, %add3A_245, %max3A_255 : i32
      "tpu.region"() ({
        %run_scoped3A = tpu.sem_alloc : memref<!tpu.dma_semaphore, #tpu.memory_space<semaphore_mem>>
        %dma_start3A = arith.constant 0 : i32
        %dma_start3A_277 = tpu.memref_slice %arg3[%select_n3A_262, %dma_start3A] : memref<32x24576xf32, #tpu.memory_space<hbm>> -> memref<1x24576xf32, #tpu.memory_space<hbm>>
        %dma_start3A_278 = tpu.memref_squeeze %dma_start3A_277 : memref<1x24576xf32, #tpu.memory_space<hbm>> -> memref<24576xf32, #tpu.memory_space<hbm>>
        %dma_start3A_279 = arith.constant 0 : i32
        %dma_start3A_280 = tpu.memref_slice %arg3[%select_n3A_262, %dma_start3A_279] : memref<32x24576xf32, #tpu.memory_space<hbm>> -> memref<1x24576xf32, #tpu.memory_space<hbm>>
        %dma_start3A_281 = tpu.memref_squeeze %dma_start3A_280 : memref<1x24576xf32, #tpu.memory_space<hbm>> -> memref<24576xf32, #tpu.memory_space<hbm>>
        tpu.enqueue_dma source(%dma_start3A_281 : memref<24576xf32, #tpu.memory_space<hbm>>) target(%arg13 : memref<24576xf32, #tpu.memory_space<vmem>>) target_semaphore(%run_scoped3A : memref<!tpu.dma_semaphore, #tpu.memory_space<semaphore_mem>>)
        %dma_wait3A = arith.constant 0 : i32
        %dma_wait3A_282 = tpu.memref_slice %arg3[%select_n3A_262, %dma_wait3A] : memref<32x24576xf32, #tpu.memory_space<hbm>> -> memref<1x24576xf32, #tpu.memory_space<hbm>>
        %dma_wait3A_283 = tpu.memref_squeeze %dma_wait3A_282 : memref<1x24576xf32, #tpu.memory_space<hbm>> -> memref<24576xf32, #tpu.memory_space<hbm>>
        %dma_wait3A_284 = arith.constant 0 : i32
        %dma_wait3A_285 = tpu.memref_slice %arg3[%select_n3A_262, %dma_wait3A_284] : memref<32x24576xf32, #tpu.memory_space<hbm>> -> memref<1x24576xf32, #tpu.memory_space<hbm>>
        %dma_wait3A_286 = tpu.memref_squeeze %dma_wait3A_285 : memref<1x24576xf32, #tpu.memory_space<hbm>> -> memref<24576xf32, #tpu.memory_space<hbm>>
        tpu.wait_dma2 semaphore(%run_scoped3A : memref<!tpu.dma_semaphore, #tpu.memory_space<semaphore_mem>>) src(%dma_wait3A_286 : memref<24576xf32, #tpu.memory_space<hbm>>) dst(%arg13 : memref<24576xf32, #tpu.memory_space<vmem>>)
        tpu.yield
      }) : () -> ()
      "tpu.region"() ({
        %run_scoped3A = tpu.sem_alloc : memref<!tpu.dma_semaphore, #tpu.memory_space<semaphore_mem>>
        %dma_start3A = arith.constant 0 : i32
        %dma_start3A_277 = tpu.memref_slice %arg3[%select_n3A_266, %dma_start3A] : memref<32x24576xf32, #tpu.memory_space<hbm>> -> memref<1x24576xf32, #tpu.memory_space<hbm>>
        %dma_start3A_278 = tpu.memref_squeeze %dma_start3A_277 : memref<1x24576xf32, #tpu.memory_space<hbm>> -> memref<24576xf32, #tpu.memory_space<hbm>>
        %dma_start3A_279 = arith.constant 0 : i32
        %dma_start3A_280 = tpu.memref_slice %arg3[%select_n3A_266, %dma_start3A_279] : memref<32x24576xf32, #tpu.memory_space<hbm>> -> memref<1x24576xf32, #tpu.memory_space<hbm>>
        %dma_start3A_281 = tpu.memref_squeeze %dma_start3A_280 : memref<1x24576xf32, #tpu.memory_space<hbm>> -> memref<24576xf32, #tpu.memory_space<hbm>>
        tpu.enqueue_dma source(%dma_start3A_281 : memref<24576xf32, #tpu.memory_space<hbm>>) target(%arg14 : memref<24576xf32, #tpu.memory_space<vmem>>) target_semaphore(%run_scoped3A : memref<!tpu.dma_semaphore, #tpu.memory_space<semaphore_mem>>)
        %dma_wait3A = arith.constant 0 : i32
        %dma_wait3A_282 = tpu.memref_slice %arg3[%select_n3A_266, %dma_wait3A] : memref<32x24576xf32, #tpu.memory_space<hbm>> -> memref<1x24576xf32, #tpu.memory_space<hbm>>
        %dma_wait3A_283 = tpu.memref_squeeze %dma_wait3A_282 : memref<1x24576xf32, #tpu.memory_space<hbm>> -> memref<24576xf32, #tpu.memory_space<hbm>>
        %dma_wait3A_284 = arith.constant 0 : i32
        %dma_wait3A_285 = tpu.memref_slice %arg3[%select_n3A_266, %dma_wait3A_284] : memref<32x24576xf32, #tpu.memory_space<hbm>> -> memref<1x24576xf32, #tpu.memory_space<hbm>>
        %dma_wait3A_286 = tpu.memref_squeeze %dma_wait3A_285 : memref<1x24576xf32, #tpu.memory_space<hbm>> -> memref<24576xf32, #tpu.memory_space<hbm>>
        tpu.wait_dma2 semaphore(%run_scoped3A : memref<!tpu.dma_semaphore, #tpu.memory_space<semaphore_mem>>) src(%dma_wait3A_286 : memref<24576xf32, #tpu.memory_space<hbm>>) dst(%arg14 : memref<24576xf32, #tpu.memory_space<vmem>>)
        tpu.yield
      }) : () -> ()
      %mul3A_267 = arith.constant 8192 : i32
      %mul3A_268 = arith.muli %select_n3A_170, %mul3A_267 : i32
      %sub3A_269 = arith.subi %add3A_138, %mul3A_268 : i32
      %scan3A_270 = arith.constant 0 : i32
      %scan3A_271 = arith.constant 0 : i32
      %scan3A_272 = arith.constant 4 : i32
      %scan3A_273 = arith.addi %scan3A_271, %scan3A_272 : i32
      %scan3A_274 = arith.constant 1 : i32
      %scan3A_275 = scf.for %scan3A_277 = %scan3A_271 to %scan3A_273 step %scan3A_274 iter_args(%scan3A_278 = %scan3A_270) -> (i32)  : i32 {
        %mul3A_279 = arith.constant 6144 : i32
        %mul3A_280 = arith.muli %scan3A_277, %mul3A_279 : i32
        "tpu.region"() ({
          %run_scoped3A = tpu.sem_alloc : memref<!tpu.dma_semaphore, #tpu.memory_space<semaphore_mem>>
          %dma_start3A = tpu.memref_slice %arg4[%add3A, %mul3A_280] : memref<32x24576xf32, #tpu.memory_space<hbm>> -> memref<1x6144xf32, #tpu.memory_space<hbm>>
          %dma_start3A_287 = tpu.memref_squeeze %dma_start3A : memref<1x6144xf32, #tpu.memory_space<hbm>> -> memref<6144xf32, #tpu.memory_space<hbm>>
          %dma_start3A_288 = tpu.memref_slice %arg4[%add3A, %mul3A_280] : memref<32x24576xf32, #tpu.memory_space<hbm>> -> memref<1x6144xf32, #tpu.memory_space<hbm>>
          %dma_start3A_289 = tpu.memref_squeeze %dma_start3A_288 : memref<1x6144xf32, #tpu.memory_space<hbm>> -> memref<6144xf32, #tpu.memory_space<hbm>>
          tpu.enqueue_dma source(%dma_start3A_289 : memref<6144xf32, #tpu.memory_space<hbm>>) target(%arg15 : memref<6144xf32, #tpu.memory_space<vmem>>) target_semaphore(%run_scoped3A : memref<!tpu.dma_semaphore, #tpu.memory_space<semaphore_mem>>)
          %dma_wait3A = tpu.memref_slice %arg4[%add3A, %mul3A_280] : memref<32x24576xf32, #tpu.memory_space<hbm>> -> memref<1x6144xf32, #tpu.memory_space<hbm>>
          %dma_wait3A_290 = tpu.memref_squeeze %dma_wait3A : memref<1x6144xf32, #tpu.memory_space<hbm>> -> memref<6144xf32, #tpu.memory_space<hbm>>
          %dma_wait3A_291 = tpu.memref_slice %arg4[%add3A, %mul3A_280] : memref<32x24576xf32, #tpu.memory_space<hbm>> -> memref<1x6144xf32, #tpu.memory_space<hbm>>
          %dma_wait3A_292 = tpu.memref_squeeze %dma_wait3A_291 : memref<1x6144xf32, #tpu.memory_space<hbm>> -> memref<6144xf32, #tpu.memory_space<hbm>>
          tpu.wait_dma2 semaphore(%run_scoped3A : memref<!tpu.dma_semaphore, #tpu.memory_space<semaphore_mem>>) src(%dma_wait3A_292 : memref<6144xf32, #tpu.memory_space<hbm>>) dst(%arg15 : memref<6144xf32, #tpu.memory_space<vmem>>)
          tpu.yield
        }) : () -> ()
        %scan3A_281 = arith.constant 0 : i32
        %scan3A_282 = arith.constant 128 : i32
        %scan3A_283 = arith.addi %scan3A_281, %scan3A_282 : i32
        %scan3A_284 = arith.constant 1 : i32
        %scan3A_285 = scf.for %scan3A_287 = %scan3A_281 to %scan3A_283 step %scan3A_284 iter_args(%scan3A_288 = %scan3A_278) -> (i32)  : i32 {
          %mul3A_289 = arith.constant 2048 : i32
          %mul3A_290 = arith.muli %scan3A_277, %mul3A_289 : i32
          %mul3A_291 = arith.constant 16 : i32
          %mul3A_292 = arith.muli %scan3A_287, %mul3A_291 : i32
          %add3A_293 = arith.addi %mul3A_290, %mul3A_292 : i32
          %get3A_294 = arith.index_cast %add3A_293 : i32 to index
          %get3A_295 = tpu.vector_load %arg11[%get3A_294] {strides = array<i32>} : memref<8192xi32, #tpu.memory_space<vmem>>, vector<16xi32>,
          %broadcast_in_dim3A_296 = arith.constant true
          %broadcast_in_dim3A_297 = vector.broadcast %broadcast_in_dim3A_296 : i1 to vector<16xi1>
          %masked_cumsum3A_298 = tpu.scan <sum>, %get3A_295 masked %broadcast_in_dim3A_297 : vector<16xi32>, vector<16xi1> -> vector<16xi32>
          %add3A_299 = arith.addi %sub3A_269, %scan3A_288 : i32
          %broadcast_in_dim3A_300 = vector.broadcast %add3A_299 : i32 to vector<16xi32>
          %sub3A_301 = arith.subi %masked_cumsum3A_298, %get3A_295 : vector<16xi32>
          %add3A_302 = arith.addi %broadcast_in_dim3A_300, %sub3A_301 : vector<16xi32>
          %ne3A_303 = arith.constant 0 : i32
          %ne3A_304 = vector.broadcast %ne3A_303 : i32 to vector<16xi32>
          %ne3A_305 = arith.cmpi ne, %get3A_295, %ne3A_304 : vector<16xi32>
          %mul3A_306 = arith.constant 3 : i32
          %mul3A_307 = vector.broadcast %mul3A_306 : i32 to vector<16xi32>
          %mul3A_308 = arith.muli %add3A_302, %mul3A_307 : vector<16xi32>
          %mul3A_309 = arith.constant 48 : i32
          %mul3A_310 = arith.muli %scan3A_287, %mul3A_309 : i32
          %add3A_311 = arith.constant 0 : i32
          %add3A_312 = vector.broadcast %add3A_311 : i32 to vector<16xi32>
          %add3A_313 = arith.addi %mul3A_308, %add3A_312 : vector<16xi32>
          %min3A = arith.constant 24575 : i32
          %min3A_314 = vector.broadcast %min3A : i32 to vector<16xi32>
          %min3A_315 = arith.minsi %add3A_313, %min3A_314 : vector<16xi32>
          %gather3A_316 = tpu.vector_load_idx %arg13[%min3A_315] : memref<24576xf32, #tpu.memory_space<vmem>>[vector<16xi32>], vector<16xf32>,
          %sub3A_317 = arith.constant 24576 : i32
          %sub3A_318 = vector.broadcast %sub3A_317 : i32 to vector<16xi32>
          %sub3A_319 = arith.subi %add3A_313, %sub3A_318 : vector<16xi32>
          %max3A_320 = arith.constant 0 : i32
          %max3A_321 = vector.broadcast %max3A_320 : i32 to vector<16xi32>
          %max3A_322 = arith.maxsi %sub3A_319, %max3A_321 : vector<16xi32>
          %gather3A_323 = tpu.vector_load_idx %arg14[%max3A_322] : memref<24576xf32, #tpu.memory_space<vmem>>[vector<16xi32>], vector<16xf32>,
          %lt3A_324 = arith.constant 24576 : i32
          %lt3A_325 = vector.broadcast %lt3A_324 : i32 to vector<16xi32>
          %lt3A_326 = arith.cmpi slt, %add3A_313, %lt3A_325 : vector<16xi32>
          %select_n3A_327 = arith.select %lt3A_326, %gather3A_316, %gather3A_323 : vector<16xi1>, vector<16xf32>
          %add3A_328 = arith.constant 0 : i32
          %add3A_329 = arith.addi %mul3A_310, %add3A_328 : i32
          %add3A_330 = vector.broadcast %add3A_329 : i32 to vector<16xi32>
          %add3A_331 = arith.addi %mul3A_41, %add3A_330 : vector<16xi32>
          %add3A_332 = vector.broadcast %mul3A_280 : i32 to vector<16xi32>
          %add3A_333 = arith.addi %add3A_331, %add3A_332 : vector<16xi32>
          %gather3A_334 = tpu.vector_load_idx %arg12[%add3A_333] : memref<24576xf32, #tpu.memory_space<vmem>>[vector<16xi32>], vector<16xf32>,
          %gather3A_335 = tpu.vector_load_idx %arg15[%add3A_331] : memref<6144xf32, #tpu.memory_space<vmem>>[vector<16xi32>], vector<16xf32>,
          %add3A_336 = arith.addf %gather3A_335, %select_n3A_327 : vector<16xf32>
          %select_n3A_337 = arith.select %ne3A_305, %add3A_336, %gather3A_334 : vector<16xi1>, vector<16xf32>
          %mul3A_338 = arith.mulf %broadcast_in_dim3A_97, %gather3A_334 : vector<16xf32>
          %mul3A_339 = arith.mulf %sub3A, %select_n3A_337 : vector<16xf32>
          %add3A_340 = arith.addf %mul3A_338, %mul3A_339 : vector<16xf32>
          tpu.vector_store_idx %arg17[%add3A_331], %select_n3A_337 : memref<6144xf32, #tpu.memory_space<vmem>>[vector<16xi32>], vector<16xf32>,
          tpu.vector_store_idx %arg16[%add3A_331], %add3A_340 : memref<6144xf32, #tpu.memory_space<vmem>>[vector<16xi32>], vector<16xf32>,
          %add3A_341 = arith.constant 1 : i32
          %add3A_342 = vector.broadcast %add3A_341 : i32 to vector<16xi32>
          %add3A_343 = arith.addi %mul3A_308, %add3A_342 : vector<16xi32>
          %min3A_344 = arith.constant 24575 : i32
          %min3A_345 = vector.broadcast %min3A_344 : i32 to vector<16xi32>
          %min3A_346 = arith.minsi %add3A_343, %min3A_345 : vector<16xi32>
          %gather3A_347 = tpu.vector_load_idx %arg13[%min3A_346] : memref<24576xf32, #tpu.memory_space<vmem>>[vector<16xi32>], vector<16xf32>,
          %sub3A_348 = arith.constant 24576 : i32
          %sub3A_349 = vector.broadcast %sub3A_348 : i32 to vector<16xi32>
          %sub3A_350 = arith.subi %add3A_343, %sub3A_349 : vector<16xi32>
          %max3A_351 = arith.constant 0 : i32
          %max3A_352 = vector.broadcast %max3A_351 : i32 to vector<16xi32>
          %max3A_353 = arith.maxsi %sub3A_350, %max3A_352 : vector<16xi32>
          %gather3A_354 = tpu.vector_load_idx %arg14[%max3A_353] : memref<24576xf32, #tpu.memory_space<vmem>>[vector<16xi32>], vector<16xf32>,
          %lt3A_355 = arith.constant 24576 : i32
          %lt3A_356 = vector.broadcast %lt3A_355 : i32 to vector<16xi32>
          %lt3A_357 = arith.cmpi slt, %add3A_343, %lt3A_356 : vector<16xi32>
          %select_n3A_358 = arith.select %lt3A_357, %gather3A_347, %gather3A_354 : vector<16xi1>, vector<16xf32>
          %add3A_359 = arith.constant 1 : i32
          %add3A_360 = arith.addi %mul3A_310, %add3A_359 : i32
          %add3A_361 = vector.broadcast %add3A_360 : i32 to vector<16xi32>
          %add3A_362 = arith.addi %mul3A_41, %add3A_361 : vector<16xi32>
          %add3A_363 = vector.broadcast %mul3A_280 : i32 to vector<16xi32>
          %add3A_364 = arith.addi %add3A_362, %add3A_363 : vector<16xi32>
          %gather3A_365 = tpu.vector_load_idx %arg12[%add3A_364] : memref<24576xf32, #tpu.memory_space<vmem>>[vector<16xi32>], vector<16xf32>,
          %gather3A_366 = tpu.vector_load_idx %arg15[%add3A_362] : memref<6144xf32, #tpu.memory_space<vmem>>[vector<16xi32>], vector<16xf32>,
          %add3A_367 = arith.addf %gather3A_366, %select_n3A_358 : vector<16xf32>
          %select_n3A_368 = arith.select %ne3A_305, %add3A_367, %gather3A_365 : vector<16xi1>, vector<16xf32>
          %mul3A_369 = arith.mulf %broadcast_in_dim3A_97, %gather3A_365 : vector<16xf32>
          %mul3A_370 = arith.mulf %sub3A, %select_n3A_368 : vector<16xf32>
          %add3A_371 = arith.addf %mul3A_369, %mul3A_370 : vector<16xf32>
          tpu.vector_store_idx %arg17[%add3A_362], %select_n3A_368 : memref<6144xf32, #tpu.memory_space<vmem>>[vector<16xi32>], vector<16xf32>,
          tpu.vector_store_idx %arg16[%add3A_362], %add3A_371 : memref<6144xf32, #tpu.memory_space<vmem>>[vector<16xi32>], vector<16xf32>,
          %add3A_372 = arith.constant 2 : i32
          %add3A_373 = vector.broadcast %add3A_372 : i32 to vector<16xi32>
          %add3A_374 = arith.addi %mul3A_308, %add3A_373 : vector<16xi32>
          %min3A_375 = arith.constant 24575 : i32
          %min3A_376 = vector.broadcast %min3A_375 : i32 to vector<16xi32>
          %min3A_377 = arith.minsi %add3A_374, %min3A_376 : vector<16xi32>
          %gather3A_378 = tpu.vector_load_idx %arg13[%min3A_377] : memref<24576xf32, #tpu.memory_space<vmem>>[vector<16xi32>], vector<16xf32>,
          %sub3A_379 = arith.constant 24576 : i32
          %sub3A_380 = vector.broadcast %sub3A_379 : i32 to vector<16xi32>
          %sub3A_381 = arith.subi %add3A_374, %sub3A_380 : vector<16xi32>
          %max3A_382 = arith.constant 0 : i32
          %max3A_383 = vector.broadcast %max3A_382 : i32 to vector<16xi32>
          %max3A_384 = arith.maxsi %sub3A_381, %max3A_383 : vector<16xi32>
          %gather3A_385 = tpu.vector_load_idx %arg14[%max3A_384] : memref<24576xf32, #tpu.memory_space<vmem>>[vector<16xi32>], vector<16xf32>,
          %lt3A_386 = arith.constant 24576 : i32
          %lt3A_387 = vector.broadcast %lt3A_386 : i32 to vector<16xi32>
          %lt3A_388 = arith.cmpi slt, %add3A_374, %lt3A_387 : vector<16xi32>
          %select_n3A_389 = arith.select %lt3A_388, %gather3A_378, %gather3A_385 : vector<16xi1>, vector<16xf32>
          %add3A_390 = arith.constant 2 : i32
          %add3A_391 = arith.addi %mul3A_310, %add3A_390 : i32
          %add3A_392 = vector.broadcast %add3A_391 : i32 to vector<16xi32>
          %add3A_393 = arith.addi %mul3A_41, %add3A_392 : vector<16xi32>
          %add3A_394 = vector.broadcast %mul3A_280 : i32 to vector<16xi32>
          %add3A_395 = arith.addi %add3A_393, %add3A_394 : vector<16xi32>
          %gather3A_396 = tpu.vector_load_idx %arg12[%add3A_395] : memref<24576xf32, #tpu.memory_space<vmem>>[vector<16xi32>], vector<16xf32>,
          %gather3A_397 = tpu.vector_load_idx %arg15[%add3A_393] : memref<6144xf32, #tpu.memory_space<vmem>>[vector<16xi32>], vector<16xf32>,
          %add3A_398 = arith.addf %gather3A_397, %select_n3A_389 : vector<16xf32>
          %select_n3A_399 = arith.select %ne3A_305, %add3A_398, %gather3A_396 : vector<16xi1>, vector<16xf32>
          %mul3A_400 = arith.mulf %broadcast_in_dim3A_97, %gather3A_396 : vector<16xf32>
          %mul3A_401 = arith.mulf %sub3A, %select_n3A_399 : vector<16xf32>
          %add3A_402 = arith.addf %mul3A_400, %mul3A_401 : vector<16xf32>
          tpu.vector_store_idx %arg17[%add3A_393], %select_n3A_399 : memref<6144xf32, #tpu.memory_space<vmem>>[vector<16xi32>], vector<16xf32>,
          tpu.vector_store_idx %arg16[%add3A_393], %add3A_402 : memref<6144xf32, #tpu.memory_space<vmem>>[vector<16xi32>], vector<16xf32>,
          %slice3A = vector.extract_strided_slice %masked_cumsum3A_298 {offsets = [15], sizes = [1], strides = [1]} : vector<16xi32> to vector<1xi32>
          %squeeze3A = vector.extract %slice3A[0] : i32 from vector<1xi32>
          %add3A_403 = arith.addi %scan3A_288, %squeeze3A : i32
          scf.yield %add3A_403 : i32
        }
        %scan3A_286 = arith.constant 128 : i32
        "tpu.region"() ({
          %run_scoped3A = tpu.sem_alloc : memref<!tpu.dma_semaphore, #tpu.memory_space<semaphore_mem>>
          %dma_start3A = tpu.memref_slice %arg9[%add3A, %mul3A_280] : memref<32x24576xf32, #tpu.memory_space<hbm>> -> memref<1x6144xf32, #tpu.memory_space<hbm>>
          %dma_start3A_287 = tpu.memref_squeeze %dma_start3A : memref<1x6144xf32, #tpu.memory_space<hbm>> -> memref<6144xf32, #tpu.memory_space<hbm>>
          %dma_start3A_288 = tpu.memref_slice %arg9[%add3A, %mul3A_280] : memref<32x24576xf32, #tpu.memory_space<hbm>> -> memref<1x6144xf32, #tpu.memory_space<hbm>>
          %dma_start3A_289 = tpu.memref_squeeze %dma_start3A_288 : memref<1x6144xf32, #tpu.memory_space<hbm>> -> memref<6144xf32, #tpu.memory_space<hbm>>
          tpu.enqueue_dma source(%arg16 : memref<6144xf32, #tpu.memory_space<vmem>>) target(%dma_start3A_289 : memref<6144xf32, #tpu.memory_space<hbm>>) target_semaphore(%run_scoped3A : memref<!tpu.dma_semaphore, #tpu.memory_space<semaphore_mem>>)
          %dma_wait3A = tpu.memref_slice %arg9[%add3A, %mul3A_280] : memref<32x24576xf32, #tpu.memory_space<hbm>> -> memref<1x6144xf32, #tpu.memory_space<hbm>>
          %dma_wait3A_290 = tpu.memref_squeeze %dma_wait3A : memref<1x6144xf32, #tpu.memory_space<hbm>> -> memref<6144xf32, #tpu.memory_space<hbm>>
          %dma_wait3A_291 = tpu.memref_slice %arg9[%add3A, %mul3A_280] : memref<32x24576xf32, #tpu.memory_space<hbm>> -> memref<1x6144xf32, #tpu.memory_space<hbm>>
          %dma_wait3A_292 = tpu.memref_squeeze %dma_wait3A_291 : memref<1x6144xf32, #tpu.memory_space<hbm>> -> memref<6144xf32, #tpu.memory_space<hbm>>
          tpu.wait_dma2 semaphore(%run_scoped3A : memref<!tpu.dma_semaphore, #tpu.memory_space<semaphore_mem>>) src(%arg16 : memref<6144xf32, #tpu.memory_space<vmem>>) dst(%dma_wait3A_292 : memref<6144xf32, #tpu.memory_space<hbm>>)
          tpu.yield
        }) : () -> ()
        "tpu.region"() ({
          %run_scoped3A = tpu.sem_alloc : memref<!tpu.dma_semaphore, #tpu.memory_space<semaphore_mem>>
          %dma_start3A = tpu.memref_slice %arg10[%add3A, %mul3A_280] : memref<32x24576xf32, #tpu.memory_space<hbm>> -> memref<1x6144xf32, #tpu.memory_space<hbm>>
          %dma_start3A_287 = tpu.memref_squeeze %dma_start3A : memref<1x6144xf32, #tpu.memory_space<hbm>> -> memref<6144xf32, #tpu.memory_space<hbm>>
          %dma_start3A_288 = tpu.memref_slice %arg10[%add3A, %mul3A_280] : memref<32x24576xf32, #tpu.memory_space<hbm>> -> memref<1x6144xf32, #tpu.memory_space<hbm>>
          %dma_start3A_289 = tpu.memref_squeeze %dma_start3A_288 : memref<1x6144xf32, #tpu.memory_space<hbm>> -> memref<6144xf32, #tpu.memory_space<hbm>>
          tpu.enqueue_dma source(%arg17 : memref<6144xf32, #tpu.memory_space<vmem>>) target(%dma_start3A_289 : memref<6144xf32, #tpu.memory_space<hbm>>) target_semaphore(%run_scoped3A : memref<!tpu.dma_semaphore, #tpu.memory_space<semaphore_mem>>)
          %dma_wait3A = tpu.memref_slice %arg10[%add3A, %mul3A_280] : memref<32x24576xf32, #tpu.memory_space<hbm>> -> memref<1x6144xf32, #tpu.memory_space<hbm>>
          %dma_wait3A_290 = tpu.memref_squeeze %dma_wait3A : memref<1x6144xf32, #tpu.memory_space<hbm>> -> memref<6144xf32, #tpu.memory_space<hbm>>
          %dma_wait3A_291 = tpu.memref_slice %arg10[%add3A, %mul3A_280] : memref<32x24576xf32, #tpu.memory_space<hbm>> -> memref<1x6144xf32, #tpu.memory_space<hbm>>
          %dma_wait3A_292 = tpu.memref_squeeze %dma_wait3A_291 : memref<1x6144xf32, #tpu.memory_space<hbm>> -> memref<6144xf32, #tpu.memory_space<hbm>>
          tpu.wait_dma2 semaphore(%run_scoped3A : memref<!tpu.dma_semaphore, #tpu.memory_space<semaphore_mem>>) src(%arg17 : memref<6144xf32, #tpu.memory_space<vmem>>) dst(%dma_wait3A_292 : memref<6144xf32, #tpu.memory_space<hbm>>)
          tpu.yield
        }) : () -> ()
        scf.yield %scan3A_285 : i32
      }
      %scan3A_276 = arith.constant 4 : i32
    } else {
    }
    %not3A = arith.constant true
    %not3A_101 = arith.xori %ne3A_96, %not3A : i1
    %convert_element_type3A_102 = arith.extui %not3A_101 : i1 to i32
    %cond3A_103 = arith.constant 0 : i32
    %cond3A_104 = arith.cmpi ne, %convert_element_type3A_102, %cond3A_103 : i32
    scf.if %cond3A_104 {
      %broadcast_in_dim3A_105 = arith.constant 0.000000e+00 : f32
      %broadcast_in_dim3A_106 = vector.broadcast %broadcast_in_dim3A_105 : f32 to vector<16xf32>
      %scan3A_107 = arith.constant 0 : i32
      %scan3A_108 = arith.constant 512 : i32
      %scan3A_109 = arith.addi %scan3A_107, %scan3A_108 : i32
      %scan3A_110 = arith.constant 1 : i32
      %scan3A_111:4 = scf.for %scan3A_141 = %scan3A_107 to %scan3A_109 step %scan3A_110 iter_args(%scan3A_142 = %broadcast_in_dim3A_106, %scan3A_143 = %broadcast_in_dim3A_106, %scan3A_144 = %broadcast_in_dim3A_106, %scan3A_145 = %broadcast_in_dim3A_106) -> (vector<16xf32>, vector<16xf32>, vector<16xf32>, vector<16xf32>)  : i32 {
        %mul3A_146 = arith.constant 16 : i32
        %mul3A_147 = arith.muli %scan3A_141, %mul3A_146 : i32
        %get3A_148 = arith.index_cast %mul3A_147 : i32 to index
        %get3A_149 = tpu.vector_load %arg11[%get3A_148] {strides = array<i32>} : memref<8192xi32, #tpu.memory_space<vmem>>, vector<16xi32>,
        %mul3A_150 = arith.constant 48 : i32
        %mul3A_151 = arith.muli %scan3A_141, %mul3A_150 : i32
        %add3A_152 = vector.broadcast %mul3A_151 : i32 to vector<16xi32>
        %add3A_153 = arith.addi %mul3A_41, %add3A_152 : vector<16xi32>
        %gather3A_154 = tpu.vector_load_idx %arg12[%add3A_153] : memref<24576xf32, #tpu.memory_space<vmem>>[vector<16xi32>], vector<16xf32>,
        %add3A_155 = arith.constant 1 : i32
        %add3A_156 = arith.addi %mul3A_151, %add3A_155 : i32
        %add3A_157 = vector.broadcast %add3A_156 : i32 to vector<16xi32>
        %add3A_158 = arith.addi %mul3A_41, %add3A_157 : vector<16xi32>
        %gather3A_159 = tpu.vector_load_idx %arg12[%add3A_158] : memref<24576xf32, #tpu.memory_space<vmem>>[vector<16xi32>], vector<16xf32>,
        %add3A_160 = arith.constant 2 : i32
        %add3A_161 = arith.addi %mul3A_151, %add3A_160 : i32
        %add3A_162 = vector.broadcast %add3A_161 : i32 to vector<16xi32>
        %add3A_163 = arith.addi %mul3A_41, %add3A_162 : vector<16xi32>
        %gather3A_164 = tpu.vector_load_idx %arg12[%add3A_163] : memref<24576xf32, #tpu.memory_space<vmem>>[vector<16xi32>], vector<16xf32>,
        %mul3A_165 = arith.mulf %gather3A_154, %gather3A_154 : vector<16xf32>
        %mul3A_166 = arith.mulf %gather3A_159, %gather3A_159 : vector<16xf32>
        %add3A_167 = arith.addf %mul3A_165, %mul3A_166 : vector<16xf32>
        %mul3A_168 = arith.mulf %gather3A_164, %gather3A_164 : vector<16xf32>
        %add3A_169 = arith.addf %add3A_167, %mul3A_168 : vector<16xf32>
        %ne3A_170 = arith.constant 0.000000e+00 : f32
        %ne3A_171 = vector.broadcast %ne3A_170 : f32 to vector<16xf32>
        %ne3A_172 = arith.cmpf one, %add3A_169, %ne3A_171 : vector<16xf32>
        %eq3A_173 = arith.constant 0 : i32
        %eq3A_174 = vector.broadcast %eq3A_173 : i32 to vector<16xi32>
        %eq3A_175 = arith.cmpi eq, %get3A_149, %eq3A_174 : vector<16xi32>
        %and3A = arith.andi %ne3A_172, %eq3A_175 : vector<16xi1>
        %jit3A = arith.constant 1.000000e+00 : f32
        %jit3A_176 = arith.constant 0.000000e+00 : f32
        %broadcast_in_dim3A_177 = vector.broadcast %jit3A : f32 to vector<16xf32>
        %broadcast_in_dim3A_178 = vector.broadcast %jit3A_176 : f32 to vector<16xf32>
        %select_n3A_179 = arith.select %and3A, %broadcast_in_dim3A_177, %broadcast_in_dim3A_178 : vector<16xi1>, vector<16xf32>
        %mul3A_180 = arith.mulf %gather3A_154, %select_n3A_179 : vector<16xf32>
        %add3A_181 = arith.addf %scan3A_142, %mul3A_180 : vector<16xf32>
        %mul3A_182 = arith.mulf %gather3A_159, %select_n3A_179 : vector<16xf32>
        %add3A_183 = arith.addf %scan3A_143, %mul3A_182 : vector<16xf32>
        %mul3A_184 = arith.mulf %gather3A_164, %select_n3A_179 : vector<16xf32>
        %add3A_185 = arith.addf %scan3A_144, %mul3A_184 : vector<16xf32>
        %add3A_186 = arith.addf %scan3A_145, %select_n3A_179 : vector<16xf32>
        scf.yield %add3A_181, %add3A_183, %add3A_185, %add3A_186 : vector<16xf32>, vector<16xf32>, vector<16xf32>, vector<16xf32>
      }
      %scan3A_112 = arith.constant 512 : i32
      %reduce_sum3A_113 = arith.constant true
      %reduce_sum3A_114 = vector.broadcast %reduce_sum3A_113 : i1 to vector<16xi1>
      %reduce_sum3A_115 = tpu.scan <sum>, %scan3A_111#3 masked %reduce_sum3A_114 : vector<16xf32>, vector<16xi1> -> vector<16xf32>
      %reduce_sum3A_116 = vector.extract %reduce_sum3A_115[15] : f32 from vector<16xf32>
      %broadcast_in_dim3A_117 = vector.broadcast %reduce_sum3A_116 : f32 to vector<16xf32>
      %reduce_sum3A_118 = arith.constant true
      %reduce_sum3A_119 = vector.broadcast %reduce_sum3A_118 : i1 to vector<16xi1>
      %reduce_sum3A_120 = tpu.scan <sum>, %scan3A_111#0 masked %reduce_sum3A_119 : vector<16xf32>, vector<16xi1> -> vector<16xf32>
      %reduce_sum3A_121 = vector.extract %reduce_sum3A_120[15] : f32 from vector<16xf32>
      %broadcast_in_dim3A_122 = vector.broadcast %reduce_sum3A_121 : f32 to vector<16xf32>
      %div3A = arith.divf %broadcast_in_dim3A_122, %broadcast_in_dim3A_117 : vector<16xf32>
      %reduce_sum3A_123 = arith.constant true
      %reduce_sum3A_124 = vector.broadcast %reduce_sum3A_123 : i1 to vector<16xi1>
      %reduce_sum3A_125 = tpu.scan <sum>, %scan3A_111#1 masked %reduce_sum3A_124 : vector<16xf32>, vector<16xi1> -> vector<16xf32>
      %reduce_sum3A_126 = vector.extract %reduce_sum3A_125[15] : f32 from vector<16xf32>
      %broadcast_in_dim3A_127 = vector.broadcast %reduce_sum3A_126 : f32 to vector<16xf32>
      %div3A_128 = arith.divf %broadcast_in_dim3A_127, %broadcast_in_dim3A_117 : vector<16xf32>
      %reduce_sum3A_129 = arith.constant true
      %reduce_sum3A_130 = vector.broadcast %reduce_sum3A_129 : i1 to vector<16xi1>
      %reduce_sum3A_131 = tpu.scan <sum>, %scan3A_111#2 masked %reduce_sum3A_130 : vector<16xf32>, vector<16xi1> -> vector<16xf32>
      %reduce_sum3A_132 = vector.extract %reduce_sum3A_131[15] : f32 from vector<16xf32>
      %broadcast_in_dim3A_133 = vector.broadcast %reduce_sum3A_132 : f32 to vector<16xf32>
      %div3A_134 = arith.divf %broadcast_in_dim3A_133, %broadcast_in_dim3A_117 : vector<16xf32>
      %scan3A_135 = arith.constant 0 : i32
      %scan3A_136 = arith.constant 0 : i32
      %scan3A_137 = arith.constant 4 : i32
      %scan3A_138 = arith.addi %scan3A_136, %scan3A_137 : i32
      %scan3A_139 = arith.constant 1 : i32
      scf.for %scan3A_141 = %scan3A_136 to %scan3A_138 step %scan3A_139  : i32 {
        %mul3A_142 = arith.constant 6144 : i32
        %mul3A_143 = arith.muli %scan3A_141, %mul3A_142 : i32
        "tpu.region"() ({
          %run_scoped3A = tpu.sem_alloc : memref<!tpu.dma_semaphore, #tpu.memory_space<semaphore_mem>>
          %dma_start3A = tpu.memref_slice %arg5[%add3A, %mul3A_143] : memref<32x24576xf32, #tpu.memory_space<hbm>> -> memref<1x6144xf32, #tpu.memory_space<hbm>>
          %dma_start3A_150 = tpu.memref_squeeze %dma_start3A : memref<1x6144xf32, #tpu.memory_space<hbm>> -> memref<6144xf32, #tpu.memory_space<hbm>>
          %dma_start3A_151 = tpu.memref_slice %arg5[%add3A, %mul3A_143] : memref<32x24576xf32, #tpu.memory_space<hbm>> -> memref<1x6144xf32, #tpu.memory_space<hbm>>
          %dma_start3A_152 = tpu.memref_squeeze %dma_start3A_151 : memref<1x6144xf32, #tpu.memory_space<hbm>> -> memref<6144xf32, #tpu.memory_space<hbm>>
          tpu.enqueue_dma source(%dma_start3A_152 : memref<6144xf32, #tpu.memory_space<hbm>>) target(%arg15 : memref<6144xf32, #tpu.memory_space<vmem>>) target_semaphore(%run_scoped3A : memref<!tpu.dma_semaphore, #tpu.memory_space<semaphore_mem>>)
          %dma_wait3A = tpu.memref_slice %arg5[%add3A, %mul3A_143] : memref<32x24576xf32, #tpu.memory_space<hbm>> -> memref<1x6144xf32, #tpu.memory_space<hbm>>
          %dma_wait3A_153 = tpu.memref_squeeze %dma_wait3A : memref<1x6144xf32, #tpu.memory_space<hbm>> -> memref<6144xf32, #tpu.memory_space<hbm>>
          %dma_wait3A_154 = tpu.memref_slice %arg5[%add3A, %mul3A_143] : memref<32x24576xf32, #tpu.memory_space<hbm>> -> memref<1x6144xf32, #tpu.memory_space<hbm>>
          %dma_wait3A_155 = tpu.memref_squeeze %dma_wait3A_154 : memref<1x6144xf32, #tpu.memory_space<hbm>> -> memref<6144xf32, #tpu.memory_space<hbm>>
          tpu.wait_dma2 semaphore(%run_scoped3A : memref<!tpu.dma_semaphore, #tpu.memory_space<semaphore_mem>>) src(%dma_wait3A_155 : memref<6144xf32, #tpu.memory_space<hbm>>) dst(%arg15 : memref<6144xf32, #tpu.memory_space<vmem>>)
          tpu.yield
        }) : () -> ()
        %scan3A_144 = arith.constant 0 : i32
        %scan3A_145 = arith.constant 0 : i32
        %scan3A_146 = arith.constant 128 : i32
        %scan3A_147 = arith.addi %scan3A_145, %scan3A_146 : i32
        %scan3A_148 = arith.constant 1 : i32
        scf.for %scan3A_150 = %scan3A_145 to %scan3A_147 step %scan3A_148  : i32 {
          %mul3A_151 = arith.constant 2048 : i32
          %mul3A_152 = arith.muli %scan3A_141, %mul3A_151 : i32
          %mul3A_153 = arith.constant 16 : i32
          %mul3A_154 = arith.muli %scan3A_150, %mul3A_153 : i32
          %add3A_155 = arith.addi %mul3A_152, %mul3A_154 : i32
          %get3A_156 = arith.index_cast %add3A_155 : i32 to index
          %get3A_157 = tpu.vector_load %arg11[%get3A_156] {strides = array<i32>} : memref<8192xi32, #tpu.memory_space<vmem>>, vector<16xi32>,
          %ne3A_158 = arith.constant 0 : i32
          %ne3A_159 = vector.broadcast %ne3A_158 : i32 to vector<16xi32>
          %ne3A_160 = arith.cmpi ne, %get3A_157, %ne3A_159 : vector<16xi32>
          %mul3A_161 = arith.constant 48 : i32
          %mul3A_162 = arith.muli %scan3A_150, %mul3A_161 : i32
          %add3A_163 = arith.constant 0 : i32
          %add3A_164 = arith.addi %mul3A_162, %add3A_163 : i32
          %add3A_165 = vector.broadcast %add3A_164 : i32 to vector<16xi32>
          %add3A_166 = arith.addi %mul3A_41, %add3A_165 : vector<16xi32>
          %add3A_167 = vector.broadcast %mul3A_143 : i32 to vector<16xi32>
          %add3A_168 = arith.addi %add3A_166, %add3A_167 : vector<16xi32>
          %gather3A_169 = tpu.vector_load_idx %arg12[%add3A_168] : memref<24576xf32, #tpu.memory_space<vmem>>[vector<16xi32>], vector<16xf32>,
          %gather3A_170 = tpu.vector_load_idx %arg15[%add3A_166] : memref<6144xf32, #tpu.memory_space<vmem>>[vector<16xi32>], vector<16xf32>,
          %add3A_171 = arith.addf %gather3A_170, %div3A : vector<16xf32>
          %select_n3A_172 = arith.select %ne3A_160, %add3A_171, %gather3A_169 : vector<16xi1>, vector<16xf32>
          %mul3A_173 = arith.mulf %broadcast_in_dim3A_97, %gather3A_169 : vector<16xf32>
          %mul3A_174 = arith.mulf %sub3A, %select_n3A_172 : vector<16xf32>
          %add3A_175 = arith.addf %mul3A_173, %mul3A_174 : vector<16xf32>
          tpu.vector_store_idx %arg17[%add3A_166], %select_n3A_172 : memref<6144xf32, #tpu.memory_space<vmem>>[vector<16xi32>], vector<16xf32>,
          tpu.vector_store_idx %arg16[%add3A_166], %add3A_175 : memref<6144xf32, #tpu.memory_space<vmem>>[vector<16xi32>], vector<16xf32>,
          %add3A_176 = arith.constant 1 : i32
          %add3A_177 = arith.addi %mul3A_162, %add3A_176 : i32
          %add3A_178 = vector.broadcast %add3A_177 : i32 to vector<16xi32>
          %add3A_179 = arith.addi %mul3A_41, %add3A_178 : vector<16xi32>
          %add3A_180 = vector.broadcast %mul3A_143 : i32 to vector<16xi32>
          %add3A_181 = arith.addi %add3A_179, %add3A_180 : vector<16xi32>
          %gather3A_182 = tpu.vector_load_idx %arg12[%add3A_181] : memref<24576xf32, #tpu.memory_space<vmem>>[vector<16xi32>], vector<16xf32>,
          %gather3A_183 = tpu.vector_load_idx %arg15[%add3A_179] : memref<6144xf32, #tpu.memory_space<vmem>>[vector<16xi32>], vector<16xf32>,
          %add3A_184 = arith.addf %gather3A_183, %div3A_128 : vector<16xf32>
          %select_n3A_185 = arith.select %ne3A_160, %add3A_184, %gather3A_182 : vector<16xi1>, vector<16xf32>
          %mul3A_186 = arith.mulf %broadcast_in_dim3A_97, %gather3A_182 : vector<16xf32>
          %mul3A_187 = arith.mulf %sub3A, %select_n3A_185 : vector<16xf32>
          %add3A_188 = arith.addf %mul3A_186, %mul3A_187 : vector<16xf32>
          tpu.vector_store_idx %arg17[%add3A_179], %select_n3A_185 : memref<6144xf32, #tpu.memory_space<vmem>>[vector<16xi32>], vector<16xf32>,
          tpu.vector_store_idx %arg16[%add3A_179], %add3A_188 : memref<6144xf32, #tpu.memory_space<vmem>>[vector<16xi32>], vector<16xf32>,
          %add3A_189 = arith.constant 2 : i32
          %add3A_190 = arith.addi %mul3A_162, %add3A_189 : i32
          %add3A_191 = vector.broadcast %add3A_190 : i32 to vector<16xi32>
          %add3A_192 = arith.addi %mul3A_41, %add3A_191 : vector<16xi32>
          %add3A_193 = vector.broadcast %mul3A_143 : i32 to vector<16xi32>
          %add3A_194 = arith.addi %add3A_192, %add3A_193 : vector<16xi32>
          %gather3A_195 = tpu.vector_load_idx %arg12[%add3A_194] : memref<24576xf32, #tpu.memory_space<vmem>>[vector<16xi32>], vector<16xf32>,
          %gather3A_196 = tpu.vector_load_idx %arg15[%add3A_192] : memref<6144xf32, #tpu.memory_space<vmem>>[vector<16xi32>], vector<16xf32>,
          %add3A_197 = arith.addf %gather3A_196, %div3A_134 : vector<16xf32>
          %select_n3A_198 = arith.select %ne3A_160, %add3A_197, %gather3A_195 : vector<16xi1>, vector<16xf32>
          %mul3A_199 = arith.mulf %broadcast_in_dim3A_97, %gather3A_195 : vector<16xf32>
          %mul3A_200 = arith.mulf %sub3A, %select_n3A_198 : vector<16xf32>
          %add3A_201 = arith.addf %mul3A_199, %mul3A_200 : vector<16xf32>
          tpu.vector_store_idx %arg17[%add3A_192], %select_n3A_198 : memref<6144xf32, #tpu.memory_space<vmem>>[vector<16xi32>], vector<16xf32>,
          tpu.vector_store_idx %arg16[%add3A_192], %add3A_201 : memref<6144xf32, #tpu.memory_space<vmem>>[vector<16xi32>], vector<16xf32>,
        }
        %scan3A_149 = arith.constant 128 : i32
        "tpu.region"() ({
          %run_scoped3A = tpu.sem_alloc : memref<!tpu.dma_semaphore, #tpu.memory_space<semaphore_mem>>
          %dma_start3A = tpu.memref_slice %arg9[%add3A, %mul3A_143] : memref<32x24576xf32, #tpu.memory_space<hbm>> -> memref<1x6144xf32, #tpu.memory_space<hbm>>
          %dma_start3A_150 = tpu.memref_squeeze %dma_start3A : memref<1x6144xf32, #tpu.memory_space<hbm>> -> memref<6144xf32, #tpu.memory_space<hbm>>
          %dma_start3A_151 = tpu.memref_slice %arg9[%add3A, %mul3A_143] : memref<32x24576xf32, #tpu.memory_space<hbm>> -> memref<1x6144xf32, #tpu.memory_space<hbm>>
          %dma_start3A_152 = tpu.memref_squeeze %dma_start3A_151 : memref<1x6144xf32, #tpu.memory_space<hbm>> -> memref<6144xf32, #tpu.memory_space<hbm>>
          tpu.enqueue_dma source(%arg16 : memref<6144xf32, #tpu.memory_space<vmem>>) target(%dma_start3A_152 : memref<6144xf32, #tpu.memory_space<hbm>>) target_semaphore(%run_scoped3A : memref<!tpu.dma_semaphore, #tpu.memory_space<semaphore_mem>>)
          %dma_wait3A = tpu.memref_slice %arg9[%add3A, %mul3A_143] : memref<32x24576xf32, #tpu.memory_space<hbm>> -> memref<1x6144xf32, #tpu.memory_space<hbm>>
          %dma_wait3A_153 = tpu.memref_squeeze %dma_wait3A : memref<1x6144xf32, #tpu.memory_space<hbm>> -> memref<6144xf32, #tpu.memory_space<hbm>>
          %dma_wait3A_154 = tpu.memref_slice %arg9[%add3A, %mul3A_143] : memref<32x24576xf32, #tpu.memory_space<hbm>> -> memref<1x6144xf32, #tpu.memory_space<hbm>>
          %dma_wait3A_155 = tpu.memref_squeeze %dma_wait3A_154 : memref<1x6144xf32, #tpu.memory_space<hbm>> -> memref<6144xf32, #tpu.memory_space<hbm>>
          tpu.wait_dma2 semaphore(%run_scoped3A : memref<!tpu.dma_semaphore, #tpu.memory_space<semaphore_mem>>) src(%arg16 : memref<6144xf32, #tpu.memory_space<vmem>>) dst(%dma_wait3A_155 : memref<6144xf32, #tpu.memory_space<hbm>>)
          tpu.yield
        }) : () -> ()
        "tpu.region"() ({
          %run_scoped3A = tpu.sem_alloc : memref<!tpu.dma_semaphore, #tpu.memory_space<semaphore_mem>>
          %dma_start3A = tpu.memref_slice %arg10[%add3A, %mul3A_143] : memref<32x24576xf32, #tpu.memory_space<hbm>> -> memref<1x6144xf32, #tpu.memory_space<hbm>>
          %dma_start3A_150 = tpu.memref_squeeze %dma_start3A : memref<1x6144xf32, #tpu.memory_space<hbm>> -> memref<6144xf32, #tpu.memory_space<hbm>>
          %dma_start3A_151 = tpu.memref_slice %arg10[%add3A, %mul3A_143] : memref<32x24576xf32, #tpu.memory_space<hbm>> -> memref<1x6144xf32, #tpu.memory_space<hbm>>
          %dma_start3A_152 = tpu.memref_squeeze %dma_start3A_151 : memref<1x6144xf32, #tpu.memory_space<hbm>> -> memref<6144xf32, #tpu.memory_space<hbm>>
          tpu.enqueue_dma source(%arg17 : memref<6144xf32, #tpu.memory_space<vmem>>) target(%dma_start3A_152 : memref<6144xf32, #tpu.memory_space<hbm>>) target_semaphore(%run_scoped3A : memref<!tpu.dma_semaphore, #tpu.memory_space<semaphore_mem>>)
          %dma_wait3A = tpu.memref_slice %arg10[%add3A, %mul3A_143] : memref<32x24576xf32, #tpu.memory_space<hbm>> -> memref<1x6144xf32, #tpu.memory_space<hbm>>
          %dma_wait3A_153 = tpu.memref_squeeze %dma_wait3A : memref<1x6144xf32, #tpu.memory_space<hbm>> -> memref<6144xf32, #tpu.memory_space<hbm>>
          %dma_wait3A_154 = tpu.memref_slice %arg10[%add3A, %mul3A_143] : memref<32x24576xf32, #tpu.memory_space<hbm>> -> memref<1x6144xf32, #tpu.memory_space<hbm>>
          %dma_wait3A_155 = tpu.memref_squeeze %dma_wait3A_154 : memref<1x6144xf32, #tpu.memory_space<hbm>> -> memref<6144xf32, #tpu.memory_space<hbm>>
          tpu.wait_dma2 semaphore(%run_scoped3A : memref<!tpu.dma_semaphore, #tpu.memory_space<semaphore_mem>>) src(%arg17 : memref<6144xf32, #tpu.memory_space<vmem>>) dst(%dma_wait3A_155 : memref<6144xf32, #tpu.memory_space<hbm>>)
          tpu.yield
        }) : () -> ()
      }
      %scan3A_140 = arith.constant 4 : i32
    } else {
    }
    return
  }
}

</mosaic_0001>

<sc_bundles>
// kernel: kernel.3.cloned.1.call-start
scs
__scs_entry_jumppad:
0x0: {  	(pc) =	sbr.rel $0x88, $3  }
0x1: {  	(tag) =	ssettag $0x0;
	lr =	simm.s32 $0x1  }
0x2: {  	[smem:$0x3F9C] =	sst lr;
	_ =	strace $0xD0000000  }
0x3: {  	_ = 	snop  }
0x4: {  	_ = 	snop  }
0x5: {  	_ = 	snop  }
0x6: {  	_ = 	snop  }
0x7: {  	_ = 	snop  }
__scs_overlays_trampoline_lowered:
0x8: {  	[smem:$0x3FAB] =	sst s0  }
0x9: {  	[smem:$0x3FAC] =	sst s1  }
0xa: {  	[smem:$0x3FAD] =	sst s2  }
0xb: {  	[smem:$0x3FAE] =	sst s3  }
0xc: {  	[smem:$0x3FAF] =	sst s4  }
0xd: {  	[smem:$0x3FB0] =	sst s5  }
0xe: {  	[smem:$0x3FB1] =	sst s6  }
0xf: {  	[smem:$0x3FB2] =	sst s7  }
0x10: {  	[smem:$0x3FB3] =	sst s8  }
0x11: {  	[smem:$0x3FB4] =	sst s9;
	s0 =	simm.s32 @!p0 $0x0  }
0x12: {  	s1 =	sld [smem:$0x3F9A];
	s0 =	simm.s32 @p0 $0x1  }
0x13: {  	[smem:$0x3FB5] =	sst s0;
	s0 =	simm.s32 @!p1 $0x0  }
0x14: {  	s2 =	sld [smem:$0x3F99];
	s0 =	simm.s32 @p1 $0x1  }
0x15: {  	[smem:$0x3FB6] =	sst s0;
	s0 =	simm.s32 @!p2 $0x0  }
0x16: {  	s3 =	sld [smem:$0x3FDB];
	s0 =	simm.s32 @p2 $0x1  }
0x17: {  	s4 =	simm.s32 $0x1BF5;
	[smem:$0x3FB8] =	sst s0  }
0x18: {  	s0 =	sld [smem:$0x3F9B];
	_ =	swait.ge [sflag:s4], $0x0  }
0x19: {  	s7 =	sld [smem:$0x3F9C]  }
0x1a: {  	s8 =	sadd.s32 $0xFFFFE003, lr  }
0x1b: {  	s9 =	sadd.s32 $0xFFFFFEF7, lr;
	s5 =	simm.s32 $0xFFFFFFFF;
	p2 =	slt.u32 s8, $0xFFFFF086  }
0x1c: {  	p1 =	slt.u32 s9, $0xF7A;
	s5 =	simm.s32 @!p2 $0x0  }
0x1d: {  	s5 =	simm.s32 @p1 $0x1;
	p0 =	seq.s32 s7, s2  }
0x1e: {  	s7 =	smul.u32 @!p0 $0xF7A, s2;
	p2 =	seq.s32 @!p0 s5, $0x0  }
0x1f: {  	s9 =	smul.u32 $0xF7A, s1;
	s8 =	simm.s32 @!p0 $0x1BF5;
	p2 =	por !p2, p0  }
0x20: {  	[sflag:s8] =	ssyncset.s32 @!p0 $0xFFFFF086;
	s6 =	sadd.s32 @!p0 s3, s7;
	s7 =	simm.s32 @!p0 $0x108  }
0x21: {  	s3 =	sadd.s32 s3, s9;
	s6 =	sadd.s32 @!p0 $0x88, s6;
	s7 =	simm.s32 @p2 $0x1082  }
0x22: {  	[simem:s7], [sflag:s8] =	dma.local @!p0 [hbm:s6], $0xF7A  }
0x23: {  	s9 =	sor.u32 $0xD0000000, s2;
	s6 =	simm.s32 $0x108;
	_ =	swait.ge @!p0 [sflag:s8], $0x0  }
0x24: {  	s3 =	sadd.s32 $0x88, s3;
	s6 =	simm.s32 @!p1 $0x1082;
	[sflag:s4] =	ssyncset.s32 $0xFFFFF086  }
0x25: {  	[simem:s6], [sflag:s4] =	dma.local [hbm:s3], $0xF7A  }
0x26: {  	[smem:$0x3F9C] =	sst s1;
	(tag) =	ssettag s2;
	_ =	strace s9  }
0x27: {  	s1 =	sld [smem:$0x3FAC]  }
0x28: {  	s2 =	sld [smem:$0x3FAD]  }
0x29: {  	s4 =	sld [smem:$0x3FAF]  }
0x2a: {  	p0 =	seq.s32 s5, $0x0;
	s5 =	sld [smem:$0x3FB0]  }
0x2b: {  	s6 =	sld [smem:$0x3FB1]  }
0x2c: {  	s7 =	sld [smem:$0x3FB2]  }
0x2d: {  	s3 =	simm.s32 $0x108;
	s8 =	sld [smem:$0x3FB3]  }
0x2e: {  	s3 =	simm.s32 @!p0 $0x1082;
	s9 =	sld [smem:$0x3FB4]  }
0x2f: {  	lr =	sadd.s32 s0, s3;
	s0 =	sld [smem:$0x3FAB]  }
0x30: {  	s3 =	sld [smem:$0x3FAE]  }
0x31: {  	[smem:$0x3FB7] =	sst s10  }
0x32: {  	s10 =	sld [smem:$0x3FB5];
	_ =	sdelay $0x3  }
0x33: {  	p0 =	seq.s32 s10, $0x1;
	s10 =	sld [smem:$0x3FB7];
	_ =	sdelay $0x3  }
0x34: {  	[smem:$0x3FB7] =	sst s10  }
0x35: {  	s10 =	sld [smem:$0x3FB6];
	_ =	sdelay $0x3  }
0x36: {  	p1 =	seq.s32 s10, $0x1;
	s10 =	sld [smem:$0x3FB7];
	_ =	sdelay $0x3  }
0x37: {  	[smem:$0x3FB7] =	sst s10  }
0x38: {  	s10 =	sld [smem:$0x3FB8]  }
0x39: {  	_ = 	snop;
	(pc) =	sbr.ind lr, $3  }
0x3a: {  	_ = 	snop  }
0x3b: {  	_ = 	snop  }
0x3c: {  	p2 =	seq.s32 s10, $0x1;
	s10 =	sld [smem:$0x3FB7]  }
0x3d: {  	_ =	shalt  }
0x3e: {  	_ =	shalt  }
0x3f: {  	_ =	shalt  }
0x40: {  	_ =	shalt  }
0x41: {  	_ =	shalt  }
0x42: {  	_ =	shalt  }
0x43: {  	_ =	shalt  }
0x44: {  	_ =	shalt  }
0x45: {  	_ =	shalt  }
0x46: {  	_ =	shalt  }
0x47: {  	_ =	shalt  }
0x48: {  	_ =	shalt  }
0x49: {  	_ =	shalt  }
0x4a: {  	_ =	shalt  }
0x4b: {  	_ =	shalt  }
0x4c: {  	_ =	shalt  }
0x4d: {  	_ =	shalt  }
0x4e: {  	_ =	shalt  }
0x4f: {  	_ =	shalt  }
0x50: {  	_ =	shalt  }
0x51: {  	_ =	shalt  }
0x52: {  	_ =	shalt  }
0x53: {  	_ =	shalt  }
0x54: {  	_ =	shalt  }
0x55: {  	_ =	shalt  }
0x56: {  	_ =	shalt  }
0x57: {  	_ =	shalt  }
0x58: {  	_ =	shalt  }
0x59: {  	_ =	shalt  }
0x5a: {  	_ =	shalt  }
0x5b: {  	_ =	shalt  }
0x5c: {  	_ =	shalt  }
0x5d: {  	_ =	shalt  }
0x5e: {  	_ =	shalt  }
0x5f: {  	_ =	shalt  }
0x60: {  	_ =	shalt  }
0x61: {  	_ =	shalt  }
0x62: {  	_ =	shalt  }
0x63: {  	_ =	shalt  }
0x64: {  	_ =	shalt  }
0x65: {  	_ =	shalt  }
0x66: {  	_ =	shalt  }
0x67: {  	_ =	shalt  }
0x68: {  	_ =	shalt  }
0x69: {  	_ =	shalt  }
0x6a: {  	_ =	shalt  }
0x6b: {  	_ =	shalt  }
0x6c: {  	_ =	shalt  }
0x6d: {  	_ =	shalt  }
0x6e: {  	_ =	shalt  }
0x6f: {  	_ =	shalt  }
0x70: {  	_ =	shalt  }
0x71: {  	_ =	shalt  }
0x72: {  	_ =	shalt  }
0x73: {  	_ =	shalt  }
0x74: {  	_ =	shalt  }
0x75: {  	_ =	shalt  }
0x76: {  	_ =	shalt  }
0x77: {  	_ =	shalt  }
0x78: {  	_ =	shalt  }
0x79: {  	_ =	shalt  }
0x7a: {  	_ =	shalt  }
0x7b: {  	_ =	shalt  }
0x7c: {  	_ =	shalt  }
0x7d: {  	_ =	shalt  }
0x7e: {  	_ =	shalt  }
0x7f: {  	_ =	shalt  }
0x80: {  	_ =	shalt  }
0x81: {  	_ =	shalt  }
0x82: {  	_ =	shalt  }
0x83: {  	_ =	shalt  }
0x84: {  	_ =	shalt  }
0x85: {  	_ =	shalt  }
0x86: {  	_ =	shalt  }
0x87: {  	_ =	shalt  }
.Lfunc_end0:
.L_simem_size_0:
called_computation_lowered:
.L_overlay_start_0:
0x88: {  	s2 =	sld [smem:$0x3FD9]  }
0x89: {  	s3 =	sld [smem:$0x3FFE];
	_ =	sdelay $0x1  }
0x8a: {  	s1 =	srdreg.scid  }
0x8b: {  	s0 =	sand.u32 $0x1, s1  }
0x8c: {  	s14 =	sshll.u32 s0, $0xA;
	s2 =	sadd.s32 s3, s2  }
0x8d: {  	s2 =	sadd.s32 s2, s14  }
0x8e: {  	[smem:$0x3FC3] =	sst s2  }
0x8f: {  	_ = 	snop  }
0x90: {  	s2 =	sld [smem:$0x3FD0];
	_ =	sdelay $0x2  }
0x91: {  	s4 =	simm.s32 $0xA;
	s5 =	simm.s32 $0x10;
	s15 =	sld [smem:$0x3FC7]  }
0x92: {  	[smem:s5], [sflag:s4] =	dma.local [hbm:s2], $0x1  }
0x93: {  	_ =	swait.eq [sflag:s4], $0x1  }
0x94: {  	[sflag:s4] =	ssyncset.done $0x0  }
0x95: {  	s16 =	sld [smem:$0x10];
	[sflag:s4] =	ssyncadd.s32 $0xFFFFFFFF  }
0x96: {  	s17 =	sld [smem:$0x11];
	(tm) =	ssettm $0x1  }
0x97: {  	s18 =	sld [smem:$0x3FFB];
	_ =	sdelay $0x3  }
0x98: {  	_ =	strace s18  }
0x99: {  	s5 =	sld [smem:$0x3FFC];
	_ =	sdelay $0x3  }
0x9a: {  	_ =	strace s5  }
0x9b: {  	s5 =	sld [smem:$0x3FFD];
	_ =	sdelay $0x3  }
0x9c: {  	_ =	strace s5  }
0x9d: {  	_ =	strace $0x8FFFFFFF  }
0x9e: {  	s19 =	sld [smem:$0x3FDB];
	_ =	sdelay $0x1  }
0x9f: {  	s6 =	simm.s32 $_scs_section_size  }
0xa0: {  	s7 =	simm.s32 $_size__tile_overlayer_lowered;
	s8 =	simm.s32 $_tile_overlayer_lowered  }
0xa1: {  	s22 =	simm.s32 $0x1BFF;
	s21 =	sshll.u32 s8, $0x1;
	s5 =	sadd.s32 s6, s19  }
0xa2: {  	s9 =	simm.s32 $0x0;
	s20 =	sshll.u32 s7, $0x1;
	s7 =	sadd.s32 s21, s5  }
0xa3: {  	[timem:s9], [sflag:s22] =	dma.local [hbm:s7], s20  }
0xa4: {  	_ =	swait.ge [sflag:s22], s20  }
0xa5: {  	s6 =	ssub.s32 $0x0, s20;
	[sflag:s22] =	ssyncset.done $0x0  }
0xa6: {  	[sflag:s22] =	ssyncadd.s32 s6;
	_ =	sdelay $0x1  }
0xa7: {  	s23 =	simm.s32 $0x1B8B  }
0xa8: {  	_ =	swait.ge [sflag:s23], $0x1  }
0xa9: {  	[sflag:s23] =	ssyncset.done $0x0  }
0xaa: {  	s25 =	simm.s32 $0x1B8E;
	s24 =	sld [smem:$0x3FFE];
	[sflag:s23] =	ssyncadd.s32 $0xFFFFFFFF  }
0xab: {  	s26 =	simm.s32 $execute0_lowered;
	[smem:$0x3FD2] =	sst s25  }
0xac: {  	s7 =	sshll.u32 s26, $0x1;
	_ =	strace $0x80000046;
	[dreg:$0x1] =	wrdreg $0xFFFFFFFF  }
0xad: {  	s28 =	simm.s32 $_size_execute0_lowered;
	s5 =	sadd.s32 s5, s7;
	[dreg:$0x0] =	wrdreg $0x0  }
0xae: {  	s7 =	sshll.u32 s28, $0x1;
	[dreg:$0x2] =	wrdreg s5  }
0xaf: {  	[dreg:$0x3] =	wrdreg s7  }
0xb0: {  	[dreg:$0x4] =	wrdreg $0xC0  }
0xb1: {  	_ =	task [dreg:s9], $0x5FFFF  }
0xb2: {  	[dreg:$0x1] =	wrdreg $0xFFFFFFFF  }
0xb3: {  	[dreg:$0x0] =	wrdreg $0x60  }
0xb4: {  	[dreg:$0x2] =	wrdreg s17  }
0xb5: {  	[dreg:$0x3] =	wrdreg s16  }
0xb6: {  	[dreg:$0x4] =	wrdreg s24  }
0xb7: {  	[dreg:$0x5] =	wrdreg s15  }
0xb8: {  	[dreg:$0x6] =	wrdreg $0x18B800  }
0xb9: {  	[dreg:$0x7] =	wrdreg $0x9  }
0xba: {  	_ =	task.clear_ibuf [dreg:s9], $0x8FFFF;
	_ =	strace $0x90000046  }
0xbb: {  	s29 =	simm.s32 $0x9;
	_ =	strace $0x80000048  }
0xbc: {  	_ =	swait.ge [sflag:s29], $0x1  }
0xbd: {  	[sflag:s29] =	ssyncadd.s32 $0xFFFFFFFF  }
0xbe: {  	_ =	strace $0x90000048  }
0xbf: {  	_ =	sfence  }
0xc0: {  	s30 =	sld [smem:$0x0];
	_ =	sdelay $0x2  }
0xc1: {  	s31 =	sshll.u32 s1, $0xD;
	s1 =	sshrl.u32 s1, $0x2  }
0xc2: {  	s3 =	sand.u32 $0x4000, s31;
	s1 =	sadd.s32 s1, s30  }
0xc3: {  	s0 =	sor.u32 s3, s0;
	s1 =	sshll.u32 s1, $0x11  }
0xc4: {  	s0 =	sor.u32 s1, s0  }
0xc5: {  	s0 =	sadd.s32 $0x8F2B, s0  }
0xc6: {  	[sflag:s0] =	ssyncadd.remote.s32 $0x1  }
0xc7: {  	_ =	sfence.sel $0xFFFF  }
0xc8: {  	[dreg:$0x0] =	wrdreg $0xFFFFFFFF;
	(pc) =	sbr.abs _section_cstart, $3  }
0xc9: {  	[dreg:$0x1] =	wrdreg $0xFFFFFFFF  }
0xca: {  	_ =	task.clear_ibuf [dreg:s9], $0x2FFFF;
	_ =	strace $0x9FFFFFFF  }
0xcb: {  	(tm) =	ssettm $0x7FFFFFFF  }
tec
execute0_lowered:
.L_overlay_start_1:
0x0: {  	(tag) =	ssettag $0x1  }
0x1: {  	s0 =	rddreg [dreg:$0x0]  }
0x2: {  	s1 =	rddreg [dreg:$0x2]  }
0x3: {  	s14 =	rddreg [dreg:$0x4];
	s3 =	srdreg.scid  }
0x4: {  	s2 =	simm.s32 $0x0;
	s13 =	stileid.u32;
	s7 =	stileid.u32  }
0x5: {  	s18 =	simm.s32 $0x80;
	s19 =	simm.s32 $0x400;
	s28 =	simm.s32 $0x17000  }
0x6: {  	s29 =	simm.s32 $0x15800;
	s30 =	simm.s32 $0x8000;
	s31 =	simm.s32 $0xE000  }
0x7: {  	[smem:$0x7FF] =	sst s2;
	s5 =	sadd.s32 $0x9600, s1;
	s6 =	sadd.s32 $0x21600, s1  }
0x8: {  	s20 =	sadd.s32 $0x1400, s1;
	s4 =	sadd.s32 $0x9400, s1;
	s9 =	sadd.s32 $0x39600, s1  }
0x9: {  	s3 =	sand.u32 $0x1, s3;
	s10 =	sadd.s32 $0x51600, s1;
	s24 =	sshll.u32 s13, $0x7  }
0xa: {  	_ =	strace $0x80000047;
	[dreg:$0x6] =	wrdreg s4;
	s21 =	ssub.s32 $0x2, s3  }
0xb: {  	p0 =	seq.s32 s3, $0x0;
	s4 =	sor.u32 $0x10, s13;
	s3 =	sshll.u32 s3, $0x4  }
0xc: {  	s8 =	sshrl.u32 s21, $0x1;
	s7 =	smov.u32 @p0 s4;
	s3 =	sor.u32 s13, s3  }
0xd: {  	s4 =	smov.u32 @p0 s13;
	s1 =	ssub.s32 s21, s8;
	s22 =	sshll.u32 s7, $0x4  }
0xe: {  	s7 =	sshll.u32 s7, $0xA;
	s12 =	sshrl.u32 s3, $0x3;
	s25 =	sshll.u32 s4, $0x4  }
0xf: {  	s4 =	sshll.u32 s4, $0xA;
	v6 =	vmov s3;
	s3 =	simm.s32 $0x18B00;
	s11 =	sand.u32 $0x70, s22  }
0x10: {  	s7 =	sand.u32 $0x6000, s7;
	s23 =	smul.u32 $0x30000, s12;
	s8 =	sadd.s32 s22, s14  }
0x11: {  	s26 =	sand.u32 $0x70, s25;
	s4 =	sand.u32 $0x6000, s4;
	s15 =	sadd.s32 s25, s14  }
0x12: {  	s17 =	smax.u32 s1, $0x1;
	s22 =	simm.s32 $0x18800;
	s11 =	sadd.s32 s20, s11  }
.Ltmp0:
0x13: {  	v0 =	vlaneseq.u32;
	[dreg:$0x8] =	wrdreg s8;
	s2 =	sadd.s32 s20, s26;
	(pc) =	sbr.rel .LBB2_1-.Ltmp0, $4  }
0x14: {  	v5 =	vimm.f32 $0.0e+00;
	v1 =	vor.u32 $0x10, v0;
	v2 =	vmul.u32 $0x10, v0;
	s20 =	simm.s32 $0x1;
	s7 =	sadd.s32 s7, s11;
	s11 =	sand.u32 $0x380, s24  }
0x15: {  	v4 =	vmul.u32 $0x3, v0;
	v7 =	vor.u32 $0x80000000, v0;
	v8 =	vor.u32 $0x80000010, v0;
	s2 =	sadd.s32 s4, s2;
	[dreg:$0x7] =	wrdreg s7;
	s13 =	sor.u32 s11, s23  }
0x16: {  	v3 =	vor.u32 $0x100, v2;
	vm0 =	veq.s32 v6, v1;
	vm1 =	veq.s32 v6, v0;
	s26 =	simm.s32 $0x14000;
	[dreg:$0x9] =	wrdreg s2;
	s7 =	sshrl.u32 s13, $0x3  }
0x17: {  	vm2 =	vgt.u32 v6, v1;
	vm3 =	vgt.u32 v6, v0;
	v6 =	vimm.s32 $0x0;
	s23 =	simm.s32 $0x2000;
	s16 =	sadd.s32 s0, s7;
	s0 =	simm.s32 $0x0  }
.LBB2_16:
0x18: {  	s0 =	sadd.s32 $0x1, s0  }
0x19: {  	p0 =	sne.s32 s0, s17  }
.Ltmp1:
0x1a: {  	_ = 	snop;
	(pc) =	sbr.rel @!p0 .LBB2_17-.Ltmp1, $2  }
0x1b: {  	_ =	sdelay $0x2  }
0x1c: {  	s3 =	simm.s32 $0x18B00  }
.LBB2_1:
0x1d: {  	s1 =	simm.s32 $0x0;
	s2 =	rddreg [dreg:$0x7]  }
0x1e: {  	[tilespmem:s1], [sflag:$0x1] =	stream.strided.gather [hbm4b:s2+s18], $0x2000, s19, s18, $0x38;
	[tilespmem:$0x18BA0] =	vst v63  }
0x1f: {  	_ =	swait.ge [sflag:s20], $0x2000  }
0x20: {  	[sflag:s20] =	ssyncset.done $0x0  }
0x21: {  	s25 =	simm.s32 $0x0;
	[sflag:s20] =	ssyncadd.s32 $0xFFFFE000  }
0x22: {  	v9 =	vimm.s32 $0x0;
	s1 =	simm.s32 $0x40;
	v10 =	vld [tilespmem:s25+$0x0]  }
.LBB2_2:
0x23: {  	p0 =	sne.s32 s1, $0x7FC0  }
.Ltmp2:
0x24: {  	_ = 	snop;
	(pc) =	sbr.rel @p0 .LBB2_2-.Ltmp2, $3  }
0x25: {  	_ =	sdelay $0x1  }
0x26: {  	s2 =	sshra.s32 s1, $0x2;
	s1 =	sadd.s32 $0x40, s1;
	v9 =	vadd.s32 v9, v10  }
0x27: {  	v10 =	vld [tilespmem:s2+$0x0]  }
0x28: {  	_ =	sdelay $0x3  }
0x29: {  	v9 =	vadd.s32 v9, v10  }
0x2a: {  	(xrf0) =	vadd.scan.msk.s32 $0xffff, v9;
	_ =	sdelay $0x5  }
0x2b: {  	v9, _, _ =	vpop (xrf0)  }
0x2c: {  	v9 =	vbroadcast v9, $0xF;
	_ =	sdelay $0x1  }
0x2d: {  	s1 =	rddreg [dreg:$0x8];
	[tilespmem:$0x18B00] =	vst v9  }
0x2e: {  	[spmem:s1] =	stream.linear.scatter [tilespmem:s3], [sflag:$0x1], $0x10, $0x38;
	[tilespmem:$0x18BA0] =	vst v63  }
0x2f: {  	_ =	swait.ge [sflag:s20], $0x10  }
0x30: {  	[sflag:s20] =	ssyncset.done $0x0  }
0x31: {  	s24 =	simm.s32 $0x0;
	s2 =	rddreg [dreg:$0x9];
	[sflag:s20] =	ssyncadd.s32 $0xFFFFFFF0  }
0x32: {  	[tilespmem:s24], [sflag:$0x1] =	stream.strided.gather [hbm4b:s2+s18], $0x2000, s19, s18, $0x38;
	[tilespmem:$0x18BA0] =	vst v63  }
0x33: {  	_ =	swait.ge [sflag:s20], $0x2000  }
0x34: {  	[sflag:s20] =	ssyncset.done $0x0  }
0x35: {  	s25 =	simm.s32 $0x0;
	[sflag:s20] =	ssyncadd.s32 $0xFFFFE000  }
0x36: {  	v9 =	vimm.s32 $0x0;
	s1 =	simm.s32 $0x40;
	v10 =	vld [tilespmem:s25+$0x0]  }
.LBB2_4:
0x37: {  	p0 =	sne.s32 s1, $0x7FC0  }
.Ltmp3:
0x38: {  	_ = 	snop;
	(pc) =	sbr.rel @p0 .LBB2_4-.Ltmp3, $3  }
0x39: {  	_ =	sdelay $0x1  }
0x3a: {  	s2 =	sshra.s32 s1, $0x2;
	s1 =	sadd.s32 $0x40, s1;
	v9 =	vadd.s32 v9, v10  }
0x3b: {  	v10 =	vld [tilespmem:s2+$0x0]  }
0x3c: {  	_ =	sdelay $0x3  }
0x3d: {  	v9 =	vadd.s32 v9, v10  }
0x3e: {  	(xrf0) =	vadd.scan.msk.s32 $0xffff, v9;
	_ =	sdelay $0x5  }
0x3f: {  	v9, _, _ =	vpop (xrf0)  }
0x40: {  	v9 =	vbroadcast v9, $0xF;
	_ =	sdelay $0x1  }
0x41: {  	[tilespmem:$0x18B00] =	vst v9  }
0x42: {  	[spmem:s15] =	stream.linear.scatter [tilespmem:s3], [sflag:$0x1], $0x10, $0x38;
	[tilespmem:$0x18BA0] =	vst v63  }
0x43: {  	_ =	swait.ge [sflag:s20], $0x10  }
0x44: {  	[sflag:s20] =	ssyncset.done $0x0  }
0x45: {  	[sflag:s20] =	ssyncadd.s32 $0xFFFFFFF0  }
0x46: {  	[bflag:$0x0] =	sbarrier.arrive $0xFFFF  }
0x47: {  	s1 =	rddreg [dreg:$0x4]  }
0x48: {  	[tilespmem:s22], [sflag:$0x1] =	stream.linear.gather [spmem:s1], $0x200, $0x38;
	[tilespmem:$0x18BA0] =	vst v63  }
0x49: {  	_ =	swait.ge [sflag:s20], $0x200  }
0x4a: {  	[sflag:s20] =	ssyncset.done $0x0  }
0x4b: {  	[sflag:s20] =	ssyncadd.s32 $0xFFFFFE00  }
0x4c: {  	[tilespmem:s23], [sflag:$0x1] =	stream.strided.gather [hbm4b:s16+s18], $0x6000, s19, s18, $0x38;
	[tilespmem:$0x18BA0] =	vst v63  }
0x4d: {  	_ =	swait.ge [sflag:s20], $0x6000  }
0x4e: {  	s7 =	simm.s32 $0x0;
	[sflag:s20] =	ssyncset.done $0x0  }
0x4f: {  	s2 =	simm.s32 $0x18A00;
	s11 =	rddreg [dreg:$0x6];
	[sflag:s20] =	ssyncadd.s32 $0xFFFFA000  }
0x50: {  	[tilespmem:s2], [sflag:$0x1] =	stream.linear.gather [hbm4b:s11+s7], $0x80, $0x38;
	[tilespmem:$0x18BA0] =	vst v63  }
0x51: {  	_ =	swait.ge [sflag:s20], $0x80  }
0x52: {  	[sflag:s20] =	ssyncset.done $0x0  }
0x53: {  	[sflag:s20] =	ssyncadd.s32 $0xFFFFFF80  }
0x54: {  	s14 =	simm.s32 $0x18A80;
	s12 =	rddreg [dreg:$0x3]  }
0x55: {  	[tilespmem:s14], [sflag:$0x1] =	stream.linear.gather [hbm4b:s12+s7], $0x80, $0x38;
	[tilespmem:$0x18BA0] =	vst v63  }
0x56: {  	_ =	swait.ge [sflag:s20], $0x80  }
0x57: {  	[sflag:s20] =	ssyncset.done $0x0  }
0x58: {  	[sflag:s20] =	ssyncadd.s32 $0xFFFFFF80  }
0x59: {  	v9 =	vld [tilespmem:$0x18A80];
	_ =	sdelay $0x1  }
0x5a: {  	v10 =	vld [tilespmem:$0x18A90]  }
0x5b: {  	v12 =	vld [tilespmem:$0x18A00];
	_ =	sdelay $0x1  }
0x5c: {  	v11 =	vld [tilespmem:$0x18A10];
	v9 =	vnsel vm1, $0x0, v9  }
0x5d: {  	(xrf2) =	vadd.scan.msk.f32 $0xffff, v9;
	_ =	sdelay $0x1  }
0x5e: {  	v9 =	vnsel vm0, $0x0, v10;
	v10 =	vnsel vm1, $0x0, v12  }
0x5f: {  	(xrf0) =	vadd.scan.msk.s32 $0xffff, v10  }
0x60: {  	(xrf2) =	vadd.scan.msk.f32 $0xffff, v9;
	v9 =	vnsel vm0, $0x0, v11  }
0x61: {  	(xrf0) =	vadd.scan.msk.s32 $0xffff, v9;
	_ =	sdelay $0x3  }
0x62: {  	v9, _, _ =	vpop (xrf0)  }
0x63: {  	(v2sf) =	vpush v9, $0xF;
	v10, _, _ =	vpop (xrf2)  }
0x64: {  	v9, _, _ =	vpop (xrf0);
	(v2sf) =	vpush v10, $0xF  }
0x65: {  	(v2sf) =	vpush v9, $0xF;
	_ =	sdelay $0x1  }
0x66: {  	v9, _, _ =	vpop (xrf2)  }
0x67: {  	(v2sf) =	vpush v9, $0xF;
	_ =	sdelay $0x9  }
0x68: {  	s21 =	spop (v2sf)  }
0x69: {  	s24 =	spop (v2sf)  }
0x6a: {  	s25 =	spop (v2sf)  }
0x6b: {  	s3 =	ssub.s32 $0x0, s25  }
0x6c: {  	s2 =	sadd.f32 $0.0e+00, s24;
	p0 =	seq.s32 s21, s3  }
.Ltmp4:
0x6d: {  	s4 =	spop (v2sf);
	(pc) =	sbr.rel @!p0 .LBB2_12-.Ltmp4, $3  }
0x6e: {  	s2 =	sadd.f32 s4, s2;
	_ =	sdelay $0x1  }
0x6f: {  	v13 =	vld.idx.msk [tilespmem:v2+s22+$0x0], $0xffff;
	v9 =	vmov s2  }
0x70: {  	v14 =	vld.idx.msk [tilespmem:v3+s22+$0x0], $0xffff;
	v10 =	vsub.f32 $1.000000000e+00, v9  }
0x71: {  	s2 =	simm.s32 $0x0  }
0x72: {  	s8 =	simm.s32 $0x1;
	v11 =	vadd.s32 s2, v4  }
0x73: {  	v13 =	vadd.s32 s8, v4  }
0x74: {  	s1 =	simm.s32 $0x2  }
0x75: {  	v15 =	vadd.s32 s1, v4  }
0x76: {  	s11 =	simm.s32 $0x30  }
0x77: {  	s12 =	simm.s32 $0x31;
	v16 =	vadd.s32 s11, v4;
	v12 =	vld.idx.msk [tilespmem:v11+s23+$0x0], $0xffff  }
0x78: {  	v18 =	vadd.s32 s12, v4;
	v13 =	vld.idx.msk [tilespmem:v13+s23+$0x0], $0xffff;
	_ =	sdelay $0x1  }
0x79: {  	s14 =	simm.s32 $0x32;
	v11 =	vld.idx.msk [tilespmem:v15+s23+$0x0], $0xffff  }
0x7a: {  	v19 =	vld [tilespmem:s7+$0x0];
	v15 =	vadd.s32 s14, v4  }
0x7b: {  	v17 =	vld.idx.msk [tilespmem:v16+s23+$0x0], $0xffff  }
0x7c: {  	v16 =	vld.idx.msk [tilespmem:v18+s23+$0x0], $0xffff;
	v20 =	vmul.f32 v12, v12;
	v21 =	vmul.f32 v13, v13;
	_ =	sdelay $0x1  }
0x7d: {  	s21 =	simm.s32 $0x60;
	v18 =	vadd.f32 v21, v20;
	v20 =	vmul.f32 v11, v11  }
0x7e: {  	s24 =	simm.s32 $0x61;
	s25 =	simm.s32 $0x62;
	v15 =	vld.idx.msk [tilespmem:v15+s23+$0x0], $0xffff;
	v21 =	vadd.s32 s21, v4  }
0x7f: {  	v25 =	vadd.s32 s25, v4;
	v18 =	vadd.f32 v20, v18;
	v20 =	vadd.s32 s24, v4  }
0x80: {  	vm6 =	veq.s32 v19, $0x0;
	v19 =	vmul.f32 v17, v17;
	v22 =	vmul.f32 v16, v16  }
0x81: {  	v14 =	vimm.f32 $0.0e+00;
	s3 =	simm.s32 $0x90;
	s1 =	simm.s32 $0x10;
	vm4 =	vlt.f32 v18, $0.0e+00;
	vm5 =	vgt.f32 v18, $0.0e+00  }
0x82: {  	v26 =	vadd.s32 s3, v4;
	v23 =	vld [tilespmem:s1+$0x0];
	v27 =	vadd.f32 v22, v19;
	vm4 =	vmor vm5, vm4  }
0x83: {  	v22 =	vimm.f32 $0.0e+00;
	v28 =	vmul.f32 v15, v15;
	v18 =	vld.idx.msk [tilespmem:v21+s23+$0x0], $0xffff;
	vm4 =	vmand vm6, vm4  }
0x84: {  	s4 =	simm.s32 $0x91;
	s2 =	simm.s32 $0x92;
	s3 =	simm.s32 $0xC2;
	v21 =	vimm.f32 $0.0e+00;
	v24 =	vsel vm4, $0x3F800000, v5;
	v19 =	vld.idx.msk [tilespmem:v20+s23+$0x0], $0xffff;
	v20 =	vimm.f32 $0.0e+00  }
.LBB2_7:
0x85: {  	p0 =	sne.s32 s3, $0x5FD2;
	v29 =	vadd.s32 s4, v4;
	v30 =	vmul.f32 v24, v12;
	v31 =	vmul.f32 v24, v11;
	v11 =	vmovc v15;
	v15 =	vld.idx.msk [tilespmem:v25+s23+$0x0], $0xffff  }
0x86: {  	v14 =	vadd.f32 v24, v14;
	v12 =	vmovc v17;
	v27 =	vadd.f32 v28, v27;
	v28 =	vmul.f32 v24, v13  }
.Ltmp5:
0x87: {  	v25 =	vadd.s32 s2, v4;
	s1 =	sadd.s32 $0x10, s1;
	s2 =	smov.u32 s3;
	v13 =	vmovc v16;
	v21 =	vadd.f32 v30, v21;
	v22 =	vadd.f32 v31, v22;
	(pc) =	sbr.rel @p0 .LBB2_7-.Ltmp5, $4  }
0x88: {  	vm6 =	veq.s32 v23, $0x0;
	v17 =	vmovc v18;
	vm4 =	vlt.f32 v27, $0.0e+00;
	vm5 =	vgt.f32 v27, $0.0e+00;
	v23 =	vld [tilespmem:s1+$0x0]  }
0x89: {  	s4 =	sadd.s32 $0xFFFFFFFE, s3;
	v24 =	vmul.f32 v18, v17;
	v27 =	vmul.f32 v19, v19;
	v16 =	vmovc v19;
	v18 =	vld.idx.msk [tilespmem:v26+s23+$0x0], $0xffff;
	vm4 =	vmor vm5, vm4  }
0x8a: {  	v20 =	vadd.f32 v28, v20;
	v26 =	vadd.s32 s4, v4;
	v19 =	vld.idx.msk [tilespmem:v29+s23+$0x0], $0xffff;
	vm4 =	vmand vm6, vm4  }
0x8b: {  	s3 =	sadd.s32 $0x30, s3;
	s4 =	sadd.s32 $0xFFFFFFFF, s2;
	v27 =	vadd.f32 v27, v24;
	v28 =	vmul.f32 v15, v15;
	v24 =	vsel vm4, $0x3F800000, v5  }
0x8c: {  	_ = 	snop  }
0x8d: {  	v29 =	vadd.s32 s4, v4;
	_ =	sdelay $0x1  }
0x8e: {  	v30 =	vadd.s32 s2, v4  }
0x8f: {  	v26 =	vld.idx.msk [tilespmem:v26+s23+$0x0], $0xffff  }
0x90: {  	v25 =	vld.idx.msk [tilespmem:v25+s23+$0x0], $0xffff  }
0x91: {  	v29 =	vld.idx.msk [tilespmem:v29+s23+$0x0], $0xffff  }
0x92: {  	v27 =	vadd.f32 v28, v27  }
0x93: {  	v53 =	vmul.f32 v18, v18;
	v30 =	vld.idx.msk [tilespmem:v30+s23+$0x0], $0xffff  }
0x94: {  	v31 =	vmul.f32 v19, v19;
	vm4 =	vlt.f32 v27, $0.0e+00;
	vm5 =	vgt.f32 v27, $0.0e+00  }
0x95: {  	s1 =	sadd.s32 $0x10, s1;
	vm6 =	veq.s32 v23, $0x0;
	vm4 =	vmor vm5, vm4;
	v32 =	vmul.f32 v26, v26  }
0x96: {  	v34 =	vld [tilespmem:s1+$0x0];
	v28 =	vadd.f32 v31, v53;
	v54 =	vmul.f32 v25, v25;
	v33 =	vmul.f32 v29, v29  }
0x97: {  	s1 =	sadd.s32 $0x10, s1;
	vm4 =	vmand vm6, vm4  }
0x98: {  	v58 =	vld [tilespmem:s1+$0x0];
	v57 =	vadd.f32 v54, v28;
	v56 =	vmul.f32 v30, v30;
	v55 =	vadd.f32 v33, v32  }
0x99: {  	v14 =	vadd.f32 v24, v14;
	v59 =	vsel vm4, $0x3F800000, v5  }
0x9a: {  	vm5 =	vlt.f32 v57, $0.0e+00;
	vm14 =	vgt.f32 v57, $0.0e+00;
	v27 =	vadd.f32 v56, v55  }
0x9b: {  	vm4 =	veq.s32 v34, $0x0;
	v14 =	vadd.f32 v59, v14;
	vm5 =	vmor vm14, vm5  }
0x9c: {  	vm4 =	vmand vm4, vm5;
	vm5 =	vlt.f32 v27, $0.0e+00;
	vm15 =	vgt.f32 v27, $0.0e+00  }
0x9d: {  	v60 =	vsel vm4, $0x3F800000, v5;
	vm4 =	veq.s32 v58, $0x0;
	vm5 =	vmor vm15, vm5  }
0x9e: {  	v14 =	vadd.f32 v60, v14;
	vm4 =	vmand vm4, vm5  }
0x9f: {  	v61 =	vsel vm4, $0x3F800000, v5  }
0xa0: {  	v12 =	vmul.f32 v24, v12;
	v11 =	vmul.f32 v24, v11;
	v14 =	vadd.f32 v61, v14  }
0xa1: {  	v13 =	vmul.f32 v24, v13  }
0xa2: {  	v12 =	vadd.f32 v12, v21;
	v11 =	vadd.f32 v11, v22;
	(xrf2) =	vadd.scan.msk.f32 $0xffff, v14;
	v14 =	vmul.f32 v59, v17  }
0xa3: {  	v13 =	vadd.f32 v13, v20;
	v15 =	vmul.f32 v59, v15;
	v16 =	vmul.f32 v59, v16  }
0xa4: {  	v12 =	vadd.f32 v14, v12;
	v14 =	vmul.f32 v60, v18  }
0xa5: {  	v11 =	vadd.f32 v15, v11;
	v13 =	vadd.f32 v16, v13  }
0xa6: {  	v15 =	vmul.f32 v60, v19;
	v12 =	vadd.f32 v14, v12;
	v14 =	vmul.f32 v61, v26  }
0xa7: {  	v62 =	vmul.f32 v60, v25  }
0xa8: {  	v13 =	vadd.f32 v15, v13;
	v15 =	vmul.f32 v61, v29;
	v12 =	vadd.f32 v14, v12  }
0xa9: {  	v11 =	vadd.f32 v62, v11;
	v63 =	vmul.f32 v61, v30  }
0xaa: {  	v13 =	vadd.f32 v15, v13  }
0xab: {  	v11 =	vadd.f32 v63, v11;
	(xrf2) =	vadd.scan.msk.f32 $0xffff, v12  }
0xac: {  	v12, _, _ =	vpop (xrf2);
	(xrf2) =	vadd.scan.msk.f32 $0xffff, v13  }
0xad: {  	v12 =	vbroadcast v12, $0xF;
	(xrf2) =	vadd.scan.msk.f32 $0xffff, v11;
	_ =	sdelay $0x1  }
0xae: {  	(erf) = vrcp.f32 v12;
	_ =	sdelay $0x5  }
0xaf: {  	v11, _, _ =	vpop (xrf2)  }
0xb0: {  	v12, _, _ =	vpop (xrf2)  }
0xb1: {  	v11 =	vbroadcast v11, $0xF;
	v13, _, _ =	vpop (xrf2)  }
0xb2: {  	v12 =	vbroadcast v12, $0xF;
	v14 =	vpop (erf);
	v13 =	vbroadcast v13, $0xF  }
0xb3: {  	v11 =	vmul.f32 v14, v11  }
0xb4: {  	s2 =	simm.s32 $0x0;
	s1 =	simm.s32 $0x0;
	v12 =	vmul.f32 v14, v12;
	v13 =	vmul.f32 v14, v13  }
.LBB2_9:
0xb5: {  	s3 =	smul.u32 $0xC000, s2;
	_ =	sdelay $0x1  }
0xb6: {  	s3 =	sadd.s32 s13, s3  }
0xb7: {  	s7 =	smul.u32 $0x1800, s2;
	s4 =	sshrl.u32 s3, $0x3  }
0xb8: {  	v15 =	vadd.s32 s1, v4;
	s3 =	sadd.s32 s6, s4  }
0xb9: {  	v14 =	vmov s7;
	[tilespmem:s26], [sflag:$0x1] =	stream.strided.gather [hbm4b:s3+s18], $0x1800, s19, s18, $0x38;
	[tilespmem:$0x18BA0] =	vst v63  }
0xba: {  	s14 =	sshll.u32 s2, $0xB;
	v16 =	vadd.s32 v14, v15;
	_ =	swait.ge [sflag:s20], $0x1800  }
0xbb: {  	s21 =	sand.u32 $0x780, s1;
	s3 =	sand.u32 $0x3FFFF800, s14;
	[sflag:s20] =	ssyncset.done $0x0  }
0xbc: {  	s8 =	sand.u32 $0x70, s1;
	s7 =	sadd.s32 s21, s3;
	[sflag:s20] =	ssyncadd.s32 $0xFFFFE800  }
0xbd: {  	s7 =	sadd.s32 s8, s7;
	v17 =	vld.idx.msk [tilespmem:v15+s26+$0x0], $0xffff  }
0xbe: {  	v18 =	vld [tilespmem:s7+$0x0]  }
0xbf: {  	v16 =	vld.idx.msk [tilespmem:v16+s23+$0x0], $0xffff;
	_ =	sdelay $0x2  }
0xc0: {  	v17 =	vadd.f32 v17, v11  }
0xc1: {  	vm4 =	veq.s32 v18, $0x0  }
0xc2: {  	s24 =	simm.s32 $0x1;
	v17 =	vsel vm4, v16, v17  }
0xc3: {  	v19 =	vadd.s32 s24, v4;
	v16 =	vmul.f32 v16, v9;
	v18 =	vmul.f32 v17, v10;
	_ =	sdelay $0x1  }
0xc4: {  	v16 =	vadd.f32 v18, v16;
	v18 =	vadd.s32 v14, v19  }
0xc5: {  	[tilespmem:v15+s28+$0x0] =	vst.idx.msk $0xffff, v17  }
0xc6: {  	[tilespmem:v15+s29+$0x0] =	vst.idx.msk $0xffff, v16  }
0xc7: {  	v15 =	vld.idx.msk [tilespmem:v19+s26+$0x0], $0xffff;
	_ =	sdelay $0x1  }
0xc8: {  	v16 =	vld.idx.msk [tilespmem:v18+s23+$0x0], $0xffff;
	_ =	sdelay $0x2  }
0xc9: {  	v15 =	vadd.f32 v15, v12;
	_ =	sdelay $0x1  }
0xca: {  	s25 =	simm.s32 $0x2;
	v15 =	vsel vm4, v16, v15  }
0xcb: {  	v17 =	vmul.f32 v16, v9;
	v16 =	vadd.s32 s25, v4;
	v18 =	vmul.f32 v15, v10;
	_ =	sdelay $0x1  }
0xcc: {  	v17 =	vadd.f32 v18, v17;
	v18 =	vadd.s32 v14, v16  }
0xcd: {  	[tilespmem:v19+s28+$0x0] =	vst.idx.msk $0xffff, v15  }
0xce: {  	[tilespmem:v19+s29+$0x0] =	vst.idx.msk $0xffff, v17  }
0xcf: {  	v15 =	vld.idx.msk [tilespmem:v16+s26+$0x0], $0xffff;
	_ =	sdelay $0x1  }
0xd0: {  	v17 =	vld.idx.msk [tilespmem:v18+s23+$0x0], $0xffff;
	_ =	sdelay $0x2  }
0xd1: {  	v15 =	vadd.f32 v15, v13;
	_ =	sdelay $0x1  }
0xd2: {  	s7 =	simm.s32 $0x30;
	v18 =	vsel vm4, v17, v15  }
0xd3: {  	v19 =	vmul.f32 v17, v9;
	v15 =	vadd.s32 s7, v4;
	v20 =	vmul.f32 v18, v10  }
0xd4: {  	s11 =	simm.s32 $0x10  }
0xd5: {  	s12 =	simm.s32 $0x20;
	s8 =	sand.u32 $0x70, s11;
	s11 =	sand.u32 $0x780, s11;
	[tilespmem:v16+s28+$0x0] =	vst.idx.msk $0xffff, v18;
	v17 =	vadd.s32 v14, v15;
	v18 =	vadd.f32 v20, v19  }
.LBB2_10:
0xd6: {  	s14 =	sand.u32 $0x70, s12  }
0xd7: {  	s21 =	sadd.s32 s11, s3;
	[tilespmem:v16+s29+$0x0] =	vst.idx.msk $0xffff, v18;
	s11 =	smov.u32 s12;
	s24 =	sadd.s32 $0x10, s12  }
0xd8: {  	p0 =	sne.s32 s12, $0x7F0;
	s12 =	sadd.s32 s8, s21;
	v16 =	vld.idx.msk [tilespmem:v15+s26+$0x0], $0xffff;
	s8 =	smov.u32 s14  }
0xd9: {  	v18 =	vld [tilespmem:s12+$0x0]  }
0xda: {  	v17 =	vld.idx.msk [tilespmem:v17+s23+$0x0], $0xffff;
	_ =	sdelay $0x3  }
0xdb: {  	v16 =	vadd.f32 v16, v11  }
0xdc: {  	vm4 =	veq.s32 v18, $0x0  }
0xdd: {  	s12 =	sadd.s32 $0x1, s7;
	v16 =	vsel vm4, v17, v16  }
0xde: {  	v19 =	vadd.s32 s12, v4;
	v17 =	vmul.f32 v17, v9;
	v18 =	vmul.f32 v16, v10;
	_ =	sdelay $0x1  }
0xdf: {  	v17 =	vadd.f32 v18, v17;
	v18 =	vadd.s32 v14, v19  }
0xe0: {  	[tilespmem:v15+s28+$0x0] =	vst.idx.msk $0xffff, v16  }
0xe1: {  	[tilespmem:v15+s29+$0x0] =	vst.idx.msk $0xffff, v17  }
0xe2: {  	v15 =	vld.idx.msk [tilespmem:v19+s26+$0x0], $0xffff;
	_ =	sdelay $0x1  }
0xe3: {  	v16 =	vld.idx.msk [tilespmem:v18+s23+$0x0], $0xffff;
	_ =	sdelay $0x3  }
0xe4: {  	v15 =	vadd.f32 v15, v12;
	_ =	sdelay $0x1  }
0xe5: {  	s12 =	sadd.s32 $0x2, s7;
	v15 =	vsel vm4, v16, v15  }
0xe6: {  	v17 =	vmul.f32 v16, v9;
	v16 =	vadd.s32 s12, v4;
	v18 =	vmul.f32 v15, v10;
	[tilespmem:v19+s28+$0x0] =	vst.idx.msk $0xffff, v15;
	_ =	sdelay $0x1  }
0xe7: {  	v15 =	vadd.f32 v18, v17;
	v17 =	vadd.s32 v14, v16;
	_ =	sdelay $0x1  }
0xe8: {  	[tilespmem:v19+s29+$0x0] =	vst.idx.msk $0xffff, v15  }
0xe9: {  	v15 =	vld.idx.msk [tilespmem:v16+s26+$0x0], $0xffff;
	_ =	sdelay $0x1  }
0xea: {  	v17 =	vld.idx.msk [tilespmem:v17+s23+$0x0], $0xffff;
	_ =	sdelay $0x3  }
0xeb: {  	v15 =	vadd.f32 v15, v13;
	_ =	sdelay $0x1  }
.Ltmp6:
0xec: {  	s7 =	sadd.s32 $0x30, s7;
	v18 =	vsel vm4, v17, v15;
	(pc) =	sbr.rel @p0 .LBB2_10-.Ltmp6, $4  }
0xed: {  	v15 =	vadd.s32 s7, v4;
	v19 =	vmul.f32 v17, v9;
	v20 =	vmul.f32 v18, v10;
	[tilespmem:v16+s28+$0x0] =	vst.idx.msk $0xffff, v18  }
0xee: {  	v17 =	vadd.s32 v14, v15  }
0xef: {  	v18 =	vadd.f32 v20, v19  }
0xf0: {  	s11 =	sand.u32 $0x780, s11;
	s12 =	smov.u32 s24  }
0xf1: {  	_ =	sdelay $0x3  }
0xf2: {  	s3 =	sadd.s32 s11, s3;
	[tilespmem:v16+s29+$0x0] =	vst.idx.msk $0xffff, v18  }
0xf3: {  	s3 =	sadd.s32 s8, s3;
	v16 =	vld.idx.msk [tilespmem:v15+s26+$0x0], $0xffff  }
0xf4: {  	v18 =	vld [tilespmem:s3+$0x0]  }
0xf5: {  	v17 =	vld.idx.msk [tilespmem:v17+s23+$0x0], $0xffff;
	_ =	sdelay $0x2  }
0xf6: {  	v16 =	vadd.f32 v16, v11  }
0xf7: {  	vm4 =	veq.s32 v18, $0x0  }
0xf8: {  	s14 =	sadd.s32 $0x1, s7;
	v16 =	vsel vm4, v17, v16  }
0xf9: {  	v19 =	vadd.s32 s14, v4;
	v17 =	vmul.f32 v17, v9;
	v59 =	vmul.f32 v16, v10;
	_ =	sdelay $0x1  }
0xfa: {  	v60 =	vadd.s32 v14, v19;
	v17 =	vadd.f32 v59, v17  }
0xfb: {  	[tilespmem:v15+s28+$0x0] =	vst.idx.msk $0xffff, v16  }
0xfc: {  	[tilespmem:v15+s29+$0x0] =	vst.idx.msk $0xffff, v17  }
0xfd: {  	v15 =	vld.idx.msk [tilespmem:v19+s26+$0x0], $0xffff;
	_ =	sdelay $0x1  }
0xfe: {  	v16 =	vld.idx.msk [tilespmem:v60+s23+$0x0], $0xffff;
	_ =	sdelay $0x2  }
0xff: {  	v15 =	vadd.f32 v15, v12;
	_ =	sdelay $0x1  }
0x100: {  	s21 =	sadd.s32 $0x2, s7;
	v15 =	vsel vm4, v16, v15  }
0x101: {  	v62 =	vadd.s32 s21, v4;
	v16 =	vmul.f32 v16, v9;
	v61 =	vmul.f32 v15, v10;
	_ =	sdelay $0x1  }
0x102: {  	v14 =	vadd.s32 v14, v62;
	v16 =	vadd.f32 v61, v16  }
0x103: {  	[tilespmem:v19+s28+$0x0] =	vst.idx.msk $0xffff, v15  }
0x104: {  	[tilespmem:v19+s29+$0x0] =	vst.idx.msk $0xffff, v16  }
0x105: {  	v15 =	vld.idx.msk [tilespmem:v62+s26+$0x0], $0xffff;
	_ =	sdelay $0x1  }
0x106: {  	v14 =	vld.idx.msk [tilespmem:v14+s23+$0x0], $0xffff;
	_ =	sdelay $0x2  }
0x107: {  	v15 =	vadd.f32 v15, v13;
	_ =	sdelay $0x1  }
0x108: {  	v15 =	vsel vm4, v14, v15  }
0x109: {  	v14 =	vmul.f32 v14, v9;
	v63 =	vmul.f32 v15, v10;
	_ =	sdelay $0x1  }
0x10a: {  	v14 =	vadd.f32 v63, v14  }
0x10b: {  	[tilespmem:v62+s28+$0x0] =	vst.idx.msk $0xffff, v15  }
0x10c: {  	s24 =	sadd.s32 s9, s4;
	[tilespmem:v62+s29+$0x0] =	vst.idx.msk $0xffff, v14  }
0x10d: {  	[hbm4b:s24+s18] =	stream.strided.scatter [tilespmem:s29], [sflag:$0x1], $0x1800, s19, s18, $0x38;
	[tilespmem:$0x18BA0] =	vst v63  }
0x10e: {  	_ =	swait.ge [sflag:s20], $0x1800  }
0x10f: {  	s2 =	sadd.s32 $0x1, s2;
	[sflag:s20] =	ssyncset.done $0x0  }
0x110: {  	s25 =	sadd.s32 s10, s4;
	p0 =	sne.s32 s2, $0x4;
	[sflag:s20] =	ssyncadd.s32 $0xFFFFE800  }
0x111: {  	[hbm4b:s25+s18] =	stream.strided.scatter [tilespmem:s28], [sflag:$0x1], $0x1800, s19, s18, $0x38;
	[tilespmem:$0x18BA0] =	vst v63  }
.Ltmp7:
0x112: {  	_ = 	snop;
	(pc) =	sbr.rel @p0 .LBB2_9-.Ltmp7, $4  }
.Ltmp8:
0x113: {  	_ = 	snop;
	(pc) =	sbr.rel @!p0 .LBB2_16-.Ltmp8, $4  }
0x114: {  	_ =	swait.ge [sflag:s20], $0x1800  }
0x115: {  	[sflag:s20] =	ssyncset.done $0x0  }
0x116: {  	[sflag:s20] =	ssyncadd.s32 $0xFFFFE800  }
0x117: {  	_ = 	snop  }
.LBB2_12:
0x118: {  	_ = 	snop  }
0x119: {  	vm5 =	vne.s32 v12, $0x0  }
0x11a: {  	vm4 =	vne.s32 v11, $0x0;
	vm6 =	vmand vm3, vm5  }
0x11b: {  	vm11 =	vmand vm2, vm4;
	v13 =	vnsel vm6, $0x0, v13  }
0x11c: {  	(xrf0) =	vadd.scan.msk.s32 $0xffff, v13;
	v50 =	vnsel vm11, $0x0, v14  }
0x11d: {  	(xrf0) =	vadd.scan.msk.s32 $0xffff, v50;
	_ =	sdelay $0x4  }
0x11e: {  	v51, _, _ =	vpop (xrf0)  }
0x11f: {  	(v2sf) =	vpush v51, $0xF;
	v52, _, _ =	vpop (xrf0)  }
0x120: {  	(v2sf) =	vpush v52, $0xF;
	_ =	sdelay $0xb  }
0x121: {  	v53 =	vsel vm5, $0x1, v6  }
0x122: {  	v54 =	vsel vm4, $0x1, v6;
	(xrf0) =	vadd.scan.msk.s32 $0xffff, v53  }
0x123: {  	(xrf0) =	vadd.scan.msk.s32 $0xffff, v54;
	s1 =	spop (v2sf)  }
0x124: {  	(xrf0) =	vadd.scan.msk.s32 $0xffff, v12;
	s2 =	spop (v2sf)  }
0x125: {  	s1 =	sadd.s32 s1, s2  }
0x126: {  	s2 =	sand.u32 $0x1FFF, s1  }
0x127: {  	s3 =	sshra.s32 s1, $0x1F;
	p0 =	slt.s32 s1, $0x1;
	p1 =	sne.s32 s2, $0x0  }
0x128: {  	v55, _, _ =	vpop (xrf0);
	s24 =	sshrl.u32 s3, $0x13;
	p0 =	por !p0, !p1  }
0x129: {  	v56, _, _ =	vpop (xrf0);
	s3 =	simm.s32 $0x1;
	s2 =	sadd.s32 s24, s1;
	p0 =	por !p0, !p0  }
0x12a: {  	v15, _, _ =	vpop (xrf0);
	s2 =	sshra.s32 s2, $0xD;
	s3 =	simm.s32 @!p0 $0x0  }
0x12b: {  	v57 =	vsub.s32 v15, v12;
	s2 =	ssub.s32 s2, s3  }
0x12c: {  	vm12 =	veq.s32 v57, s2  }
0x12d: {  	vm6 =	vmand vm5, vm12  }
0x12e: {  	v16 =	vnsel vm6, $0x0, v0  }
0x12f: {  	(xrf0) =	vadd.scan.msk.s32 $0xffff, v16  }
0x130: {  	(xrf0) =	vadd.scan.msk.s32 $0xffff, v11;
	_ =	sdelay $0x4  }
0x131: {  	v16, _, _ =	vpop (xrf0)  }
0x132: {  	v15 =	vbroadcast v15, $0xF;
	v17, _, _ =	vpop (xrf0)  }
0x133: {  	v11 =	vsub.s32 v17, v11  }
0x134: {  	v11 =	vadd.s32 v15, v11  }
0x135: {  	vm13 =	veq.s32 v11, s2  }
0x136: {  	vm6 =	vmand vm4, vm13  }
0x137: {  	v58 =	vnsel vm6, $0x0, v1  }
0x138: {  	v59 =	vnsel vm5, $0x80000000, v7;
	(xrf0) =	vadd.scan.msk.s32 $0xffff, v58  }
0x139: {  	v60 =	vnsel vm4, $0x80000000, v8;
	(xrf0) =	vmax.scan.msk.u32 $0xffff, v59  }
0x13a: {  	(xrf0) =	vmax.scan.msk.u32 $0xffff, v60;
	_ =	sdelay $0x1  }
0x13b: {  	(v2sf) =	vpush v55, $0xF  }
0x13c: {  	(v2sf) =	vpush v56, $0xF  }
0x13d: {  	(v2sf) =	vpush v16, $0xF;
	v61, _, _ =	vpop (xrf0)  }
0x13e: {  	(v2sf) =	vpush v61, $0xF;
	v62, _, _ =	vpop (xrf0)  }
0x13f: {  	(v2sf) =	vpush v62, $0xF;
	v63, _, _ =	vpop (xrf0)  }
0x140: {  	(v2sf) =	vpush v63, $0xF;
	_ =	sdelay $0x9  }
0x141: {  	s25 =	spop (v2sf)  }
0x142: {  	s4 =	spop (v2sf)  }
0x143: {  	s8 =	spop (v2sf)  }
0x144: {  	s11 =	spop (v2sf)  }
0x145: {  	s12 =	spop (v2sf)  }
0x146: {  	s24 =	spop (v2sf)  }
0x147: {  	s12 =	sxor.u32 $0x80000000, s12;
	s24 =	sxor.u32 $0x80000000, s24  }
0x148: {  	p0 =	sgt.s32 s12, s24  }
0x149: {  	s24 =	smov.u32 @p0 s12  }
0x14a: {  	p0 =	sgt.s32 s24, $0x0  }
0x14b: {  	s3 =	sadd.s32 s25, s4;
	s24 =	simm.s32 @!p0 $0x0  }
0x14c: {  	s4 =	sadd.s32 s11, s8;
	p0 =	slt.s32 s2, s3;
	s8 =	smov.u32 s24  }
0x14d: {  	s8 =	smov.u32 @p0 s4  }
0x14e: {  	s4 =	sshrl.u32 s8, $0x3  }
0x14f: {  	s8 =	sshll.u32 s8, $0x7;
	s4 =	smul.u32 $0x30000, s4  }
0x150: {  	s8 =	sand.u32 $0x380, s8  }
0x151: {  	s4 =	sor.u32 s8, s4  }
0x152: {  	s11 =	sadd.s32 $0x1, s2;
	s12 =	rddreg [dreg:$0x1];
	s4 =	sshrl.u32 s4, $0x3  }
0x153: {  	vm14 =	veq.s32 v57, s11;
	s4 =	sadd.s32 s12, s4  }
0x154: {  	vm15 =	veq.s32 v11, s11;
	vm5 =	vmand vm5, vm14;
	[tilespmem:s30], [sflag:$0x1] =	stream.strided.gather [hbm4b:s4+s18], $0x6000, s19, s18, $0x38;
	[tilespmem:$0x18BA0] =	vst v63  }
0x155: {  	vm4 =	vmand vm4, vm15;
	v11 =	vnsel vm5, $0x0, v0;
	_ =	swait.ge [sflag:s20], $0x6000  }
0x156: {  	(xrf0) =	vadd.scan.msk.s32 $0xffff, v11;
	v11 =	vnsel vm4, $0x0, v1  }
0x157: {  	(xrf0) =	vadd.scan.msk.s32 $0xffff, v11;
	_ =	sdelay $0x4  }
0x158: {  	v11, _, _ =	vpop (xrf0)  }
0x159: {  	(v2sf) =	vpush v11, $0xF;
	v11, _, _ =	vpop (xrf0)  }
0x15a: {  	(v2sf) =	vpush v11, $0xF;
	_ =	sdelay $0xd  }
0x15b: {  	s14 =	spop (v2sf)  }
0x15c: {  	s21 =	spop (v2sf)  }
0x15d: {  	p0 =	slt.s32 s11, s3;
	s3 =	sadd.s32 s21, s14  }
0x15e: {  	s24 =	smov.u32 @p0 s3  }
0x15f: {  	s3 =	sshrl.u32 s24, $0x3  }
0x160: {  	s25 =	sshll.u32 s24, $0x7;
	s3 =	smul.u32 $0x30000, s3  }
0x161: {  	s4 =	sand.u32 $0x380, s25  }
0x162: {  	s3 =	sor.u32 s4, s3  }
0x163: {  	[sflag:s20] =	ssyncset.done $0x0;
	s3 =	sshrl.u32 s3, $0x3  }
0x164: {  	[sflag:s20] =	ssyncadd.s32 $0xFFFFA000;
	s3 =	sadd.s32 s12, s3  }
0x165: {  	[tilespmem:s31], [sflag:$0x1] =	stream.strided.gather [hbm4b:s3+s18], $0x6000, s19, s18, $0x38;
	[tilespmem:$0x18BA0] =	vst v63  }
0x166: {  	s2 =	sshll.u32 s2, $0xD;
	_ =	swait.ge [sflag:s20], $0x6000  }
0x167: {  	s1 =	ssub.s32 s1, s2;
	[sflag:s20] =	ssyncset.done $0x0  }
0x168: {  	s2 =	simm.s32 $0x0;
	s3 =	simm.s32 $0x0;
	[sflag:s20] =	ssyncadd.s32 $0xFFFFA000  }
.LBB2_13:
0x169: {  	s4 =	smul.u32 $0xC000, s2;
	_ =	sdelay $0x1  }
0x16a: {  	s4 =	sadd.s32 s13, s4  }
0x16b: {  	s4 =	sshrl.u32 s4, $0x3  }
0x16c: {  	s21 =	sshll.u32 s2, $0xB;
	s8 =	sadd.s32 s5, s4  }
0x16d: {  	[tilespmem:s26], [sflag:$0x1] =	stream.strided.gather [hbm4b:s8+s18], $0x1800, s19, s18, $0x38;
	[tilespmem:$0x18BA0] =	vst v63  }
0x16e: {  	s24 =	sand.u32 $0x780, s7;
	s25 =	sand.u32 $0x3FFFF800, s21;
	_ =	swait.ge [sflag:s20], $0x1800  }
0x16f: {  	s11 =	sand.u32 $0x70, s7;
	s8 =	sadd.s32 s24, s25;
	[sflag:s20] =	ssyncset.done $0x0  }
0x170: {  	s8 =	sadd.s32 s11, s8;
	[sflag:s20] =	ssyncadd.s32 $0xFFFFE800  }
0x171: {  	v12 =	vld [tilespmem:s8+$0x0];
	_ =	sdelay $0x4  }
0x172: {  	(xrf0) =	vadd.scan.msk.s32 $0xffff, v12;
	_ =	sdelay $0x4  }
0x173: {  	s12 =	sadd.s32 s3, s1  }
0x174: {  	v11 =	vsub.s32 s12, v12;
	v13, _, _ =	vpop (xrf0)  }
0x175: {  	v11 =	vadd.s32 v13, v11  }
0x176: {  	v14 =	vmul.u32 $0x3, v11;
	_ =	sdelay $0x1  }
0x177: {  	vm4 =	vlt.s32 v14, $0x5FFF;
	v11 =	vadd.s32 $0xFFFFA000, v14  }
0x178: {  	v15 =	vnsel vm4, $0x5FFF, v14;
	vm4 =	vgt.s32 v11, $0x0  }
0x179: {  	s14 =	smul.u32 $0x1800, s2;
	v16 =	vnsel vm4, $0x0, v11  }
0x17a: {  	v17 =	vadd.s32 s7, v4  }
0x17b: {  	v11 =	vmov s14  }
0x17c: {  	v18 =	vadd.s32 v11, v17  }
0x17d: {  	v15 =	vld.idx.msk [tilespmem:v15+s30+$0x0], $0xffff  }
0x17e: {  	v16 =	vld.idx.msk [tilespmem:v16+s31+$0x0], $0xffff  }
0x17f: {  	v19 =	vld.idx.msk [tilespmem:v17+s26+$0x0], $0xffff;
	_ =	sdelay $0x1  }
0x180: {  	v18 =	vld.idx.msk [tilespmem:v18+s23+$0x0], $0xffff  }
0x181: {  	vm4 =	vlt.s32 v14, $0x6000  }
0x182: {  	v15 =	vsel vm4, v15, v16  }
0x183: {  	v58 =	vadd.s32 $0x1, v14;
	v15 =	vadd.f32 v15, v19  }
0x184: {  	vm5 =	vlt.s32 v58, $0x5FFF;
	vm4 =	veq.s32 v12, $0x0  }
0x185: {  	v59 =	vadd.s32 $0xFFFFA001, v14;
	v12 =	vnsel vm5, $0x5FFF, v58;
	v15 =	vsel vm4, v18, v15  }
0x186: {  	vm5 =	vgt.s32 v59, $0x0;
	v18 =	vmul.f32 v18, v9;
	v20 =	vmul.f32 v15, v10  }
0x187: {  	s21 =	simm.s32 $0x1;
	v19 =	vnsel vm5, $0x0, v59  }
0x188: {  	v60 =	vadd.s32 s21, v4;
	v18 =	vadd.f32 v20, v18  }
0x189: {  	[tilespmem:v17+s28+$0x0] =	vst.idx.msk $0xffff, v15  }
0x18a: {  	v15 =	vadd.s32 v11, v60;
	[tilespmem:v17+s29+$0x0] =	vst.idx.msk $0xffff, v18  }
0x18b: {  	v12 =	vld.idx.msk [tilespmem:v12+s30+$0x0], $0xffff  }
0x18c: {  	v17 =	vld.idx.msk [tilespmem:v19+s31+$0x0], $0xffff  }
0x18d: {  	v18 =	vld.idx.msk [tilespmem:v60+s26+$0x0], $0xffff;
	_ =	sdelay $0x1  }
0x18e: {  	v15 =	vld.idx.msk [tilespmem:v15+s23+$0x0], $0xffff  }
0x18f: {  	vm5 =	vlt.s32 v58, $0x6000  }
0x190: {  	v12 =	vsel vm5, v12, v17  }
0x191: {  	v61 =	vadd.s32 $0x2, v14;
	v12 =	vadd.f32 v18, v12  }
0x192: {  	(v2sf) =	vpush v13, $0xF;
	vm5 =	vlt.s32 v61, $0x5FFF  }
0x193: {  	v13 =	vadd.s32 $0xFFFFA002, v14;
	v14 =	vnsel vm5, $0x5FFF, v61;
	v62 =	vsel vm4, v15, v12  }
0x194: {  	vm5 =	vgt.s32 v13, $0x0;
	v12 =	vmul.f32 v15, v9;
	v15 =	vmul.f32 v62, v10  }
0x195: {  	s24 =	simm.s32 $0x2;
	v13 =	vnsel vm5, $0x0, v13  }
0x196: {  	v15 =	vadd.f32 v15, v12;
	v12 =	vadd.s32 s24, v4  }
0x197: {  	[tilespmem:v60+s28+$0x0] =	vst.idx.msk $0xffff, v62  }
0x198: {  	v63 =	vadd.s32 v11, v12;
	[tilespmem:v60+s29+$0x0] =	vst.idx.msk $0xffff, v15  }
0x199: {  	v14 =	vld.idx.msk [tilespmem:v14+s30+$0x0], $0xffff  }
0x19a: {  	v13 =	vld.idx.msk [tilespmem:v13+s31+$0x0], $0xffff  }
0x19b: {  	v15 =	vld.idx.msk [tilespmem:v12+s26+$0x0], $0xffff;
	_ =	sdelay $0x1  }
0x19c: {  	v17 =	vld.idx.msk [tilespmem:v63+s23+$0x0], $0xffff  }
0x19d: {  	vm5 =	vlt.s32 v61, $0x6000  }
0x19e: {  	v13 =	vsel vm5, v14, v13  }
0x19f: {  	v13 =	vadd.f32 v15, v13;
	_ =	sdelay $0x1  }
0x1a0: {  	s11 =	simm.s32 $0x20;
	s12 =	spop (v2sf);
	v15 =	vsel vm4, v17, v13  }
0x1a1: {  	s8 =	simm.s32 $0x10;
	s24 =	sadd.s32 s3, s12;
	s3 =	simm.s32 $0x0;
	v13 =	vmul.f32 v17, v9;
	v14 =	vmul.f32 v15, v10;
	[tilespmem:v12+s28+$0x0] =	vst.idx.msk $0xffff, v15  }
.LBB2_14:
0x1a2: {  	s21 =	sand.u32 $0x780, s8  }
0x1a3: {  	s3 =	sadd.s32 $0x30, s3;
	s14 =	smov.u32 s11;
	s12 =	sadd.s32 $0x10, s11  }
0x1a4: {  	p0 =	sne.s32 s11, $0x7F0;
	s8 =	sand.u32 $0x70, s8;
	s11 =	sadd.s32 s21, s25;
	v13 =	vadd.f32 v14, v13  }
0x1a5: {  	s11 =	sadd.s32 s8, s11;
	s8 =	smov.u32 s14  }
0x1a6: {  	[tilespmem:v12+s29+$0x0] =	vst.idx.msk $0xffff, v13  }
0x1a7: {  	v12 =	vld [tilespmem:s11+$0x0];
	_ =	sdelay $0x4  }
0x1a8: {  	(xrf0) =	vadd.scan.msk.s32 $0xffff, v12;
	_ =	sdelay $0x4  }
0x1a9: {  	s11 =	sadd.s32 s24, s1  }
0x1aa: {  	v13 =	vsub.s32 s11, v12;
	v14, _, _ =	vpop (xrf0)  }
0x1ab: {  	v13 =	vadd.s32 v14, v13;
	(v2sf) =	vpush v14, $0xF  }
0x1ac: {  	v13 =	vmul.u32 $0x3, v13  }
0x1ad: {  	v14 =	vadd.s32 s3, v4  }
0x1ae: {  	vm4 =	vlt.s32 v13, $0x5FFF;
	v15 =	vadd.s32 $0xFFFFA000, v13;
	v16 =	vadd.s32 $0x1, v13  }
0x1af: {  	v17 =	vnsel vm4, $0x5FFF, v13;
	vm4 =	vgt.s32 v15, $0x0;
	vm5 =	vlt.s32 v16, $0x5FFF  }
0x1b0: {  	v19 =	vadd.s32 $0xFFFFA001, v13;
	v15 =	vnsel vm4, $0x0, v15;
	v18 =	vnsel vm5, $0x5FFF, v16  }
0x1b1: {  	v20 =	vadd.s32 $0x2, v13;
	v21 =	vadd.s32 $0xFFFFA002, v13;
	vm4 =	vgt.s32 v19, $0x0  }
0x1b2: {  	vm5 =	vgt.s32 v21, $0x0;
	v19 =	vnsel vm4, $0x0, v19;
	vm4 =	vlt.s32 v20, $0x5FFF  }
0x1b3: {  	v22 =	vadd.s32 v11, v14;
	v21 =	vnsel vm5, $0x0, v21;
	v23 =	vnsel vm4, $0x5FFF, v20  }
0x1b4: {  	v17 =	vld.idx.msk [tilespmem:v17+s30+$0x0], $0xffff  }
0x1b5: {  	v15 =	vld.idx.msk [tilespmem:v15+s31+$0x0], $0xffff  }
0x1b6: {  	v24 =	vld.idx.msk [tilespmem:v14+s26+$0x0], $0xffff;
	_ =	sdelay $0x1  }
0x1b7: {  	v22 =	vld.idx.msk [tilespmem:v22+s23+$0x0], $0xffff;
	_ =	sdelay $0x1  }
0x1b8: {  	vm4 =	vlt.s32 v13, $0x6000;
	s11 =	spop (v2sf)  }
0x1b9: {  	v13 =	vsel vm4, v17, v15;
	s24 =	sadd.s32 s24, s11  }
0x1ba: {  	v13 =	vadd.f32 v13, v24  }
0x1bb: {  	vm4 =	veq.s32 v12, $0x0  }
0x1bc: {  	v12 =	vsel vm4, v22, v13  }
0x1bd: {  	v13 =	vmul.f32 v22, v9;
	v15 =	vmul.f32 v12, v10  }
0x1be: {  	s11 =	sadd.s32 $0x1, s3  }
0x1bf: {  	v13 =	vadd.f32 v15, v13;
	v15 =	vadd.s32 s11, v4  }
0x1c0: {  	[tilespmem:v14+s28+$0x0] =	vst.idx.msk $0xffff, v12  }
0x1c1: {  	v12 =	vadd.s32 v11, v15;
	[tilespmem:v14+s29+$0x0] =	vst.idx.msk $0xffff, v13  }
0x1c2: {  	v13 =	vld.idx.msk [tilespmem:v18+s30+$0x0], $0xffff  }
0x1c3: {  	v14 =	vld.idx.msk [tilespmem:v19+s31+$0x0], $0xffff  }
0x1c4: {  	v17 =	vld.idx.msk [tilespmem:v15+s26+$0x0], $0xffff;
	_ =	sdelay $0x1  }
0x1c5: {  	v12 =	vld.idx.msk [tilespmem:v12+s23+$0x0], $0xffff;
	_ =	sdelay $0x1  }
0x1c6: {  	vm5 =	vlt.s32 v16, $0x6000  }
0x1c7: {  	v13 =	vsel vm5, v13, v14  }
0x1c8: {  	v13 =	vadd.f32 v17, v13;
	_ =	sdelay $0x1  }
0x1c9: {  	v13 =	vsel vm4, v12, v13  }
0x1ca: {  	v12 =	vmul.f32 v12, v9;
	v14 =	vmul.f32 v13, v10;
	[tilespmem:v15+s28+$0x0] =	vst.idx.msk $0xffff, v13  }
0x1cb: {  	s11 =	sadd.s32 $0x2, s3  }
0x1cc: {  	v13 =	vadd.f32 v14, v12;
	v12 =	vadd.s32 s11, v4  }
0x1cd: {  	v14 =	vadd.s32 v11, v12  }
0x1ce: {  	[tilespmem:v15+s29+$0x0] =	vst.idx.msk $0xffff, v13  }
0x1cf: {  	v13 =	vld.idx.msk [tilespmem:v23+s30+$0x0], $0xffff  }
0x1d0: {  	v15 =	vld.idx.msk [tilespmem:v21+s31+$0x0], $0xffff  }
0x1d1: {  	v16 =	vld.idx.msk [tilespmem:v12+s26+$0x0], $0xffff  }
0x1d2: {  	v14 =	vld.idx.msk [tilespmem:v14+s23+$0x0], $0xffff;
	_ =	sdelay $0x1  }
0x1d3: {  	vm5 =	vlt.s32 v20, $0x6000;
	_ =	sdelay $0x1  }
.Ltmp9:
0x1d4: {  	v13 =	vsel vm5, v13, v15;
	(pc) =	sbr.rel @p0 .LBB2_14-.Ltmp9, $3  }
0x1d5: {  	v13 =	vadd.f32 v16, v13;
	_ =	sdelay $0x1  }
0x1d6: {  	v15 =	vsel vm4, v14, v13;
	v13 =	vmul.f32 v14, v9  }
0x1d7: {  	s11 =	smov.u32 s12;
	v14 =	vmul.f32 v15, v10;
	[tilespmem:v12+s28+$0x0] =	vst.idx.msk $0xffff, v15  }
0x1d8: {  	_ =	sdelay $0x1  }
0x1d9: {  	s11 =	sand.u32 $0x780, s8;
	v13 =	vadd.f32 v14, v13  }
0x1da: {  	s21 =	sand.u32 $0x70, s8;
	s11 =	sadd.s32 s11, s25  }
0x1db: {  	s8 =	sadd.s32 s21, s11;
	[tilespmem:v12+s29+$0x0] =	vst.idx.msk $0xffff, v13  }
0x1dc: {  	v12 =	vld [tilespmem:s8+$0x0];
	_ =	sdelay $0x4  }
0x1dd: {  	(xrf0) =	vadd.scan.msk.s32 $0xffff, v12;
	_ =	sdelay $0x4  }
0x1de: {  	s11 =	sadd.s32 s24, s1  }
0x1df: {  	v51 =	vsub.s32 s11, v12;
	v52, _, _ =	vpop (xrf0)  }
0x1e0: {  	v13 =	vadd.s32 v52, v51  }
0x1e1: {  	v13 =	vmul.u32 $0x3, v13;
	_ =	sdelay $0x1  }
0x1e2: {  	vm4 =	vlt.s32 v13, $0x5FFF;
	v15 =	vadd.s32 $0xFFFFA000, v13  }
0x1e3: {  	v16 =	vnsel vm4, $0x5FFF, v13;
	vm4 =	vgt.s32 v15, $0x0  }
0x1e4: {  	s3 =	sadd.s32 $0x30, s3;
	v15 =	vnsel vm4, $0x0, v15  }
0x1e5: {  	v17 =	vadd.s32 s3, v4;
	_ =	sdelay $0x1  }
0x1e6: {  	v18 =	vadd.s32 v11, v17  }
0x1e7: {  	v16 =	vld.idx.msk [tilespmem:v16+s30+$0x0], $0xffff  }
0x1e8: {  	v15 =	vld.idx.msk [tilespmem:v15+s31+$0x0], $0xffff  }
0x1e9: {  	v19 =	vld.idx.msk [tilespmem:v17+s26+$0x0], $0xffff;
	_ =	sdelay $0x1  }
0x1ea: {  	v18 =	vld.idx.msk [tilespmem:v18+s23+$0x0], $0xffff  }
0x1eb: {  	vm4 =	vlt.s32 v13, $0x6000  }
0x1ec: {  	v15 =	vsel vm4, v16, v15  }
0x1ed: {  	v53 =	vadd.s32 $0x1, v13;
	v15 =	vadd.f32 v15, v19  }
0x1ee: {  	vm5 =	vlt.s32 v53, $0x5FFF;
	vm4 =	veq.s32 v12, $0x0  }
0x1ef: {  	v55 =	vadd.s32 $0xFFFFA001, v13;
	v54 =	vnsel vm5, $0x5FFF, v53;
	v15 =	vsel vm4, v18, v15  }
0x1f0: {  	vm5 =	vgt.s32 v55, $0x0;
	v18 =	vmul.f32 v18, v9;
	v20 =	vmul.f32 v15, v10  }
0x1f1: {  	s12 =	sadd.s32 $0x1, s3;
	v19 =	vnsel vm5, $0x0, v55  }
0x1f2: {  	v56 =	vadd.s32 s12, v4;
	v18 =	vadd.f32 v20, v18  }
0x1f3: {  	[tilespmem:v17+s28+$0x0] =	vst.idx.msk $0xffff, v15  }
0x1f4: {  	v57 =	vadd.s32 v11, v56;
	[tilespmem:v17+s29+$0x0] =	vst.idx.msk $0xffff, v18  }
0x1f5: {  	v12 =	vld.idx.msk [tilespmem:v54+s30+$0x0], $0xffff  }
0x1f6: {  	v17 =	vld.idx.msk [tilespmem:v19+s31+$0x0], $0xffff  }
0x1f7: {  	v18 =	vld.idx.msk [tilespmem:v56+s26+$0x0], $0xffff;
	_ =	sdelay $0x1  }
0x1f8: {  	v15 =	vld.idx.msk [tilespmem:v57+s23+$0x0], $0xffff  }
0x1f9: {  	vm5 =	vlt.s32 v53, $0x6000  }
0x1fa: {  	v12 =	vsel vm5, v12, v17  }
0x1fb: {  	v58 =	vadd.s32 $0x2, v13;
	v12 =	vadd.f32 v18, v12  }
0x1fc: {  	vm5 =	vlt.s32 v58, $0x5FFF  }
0x1fd: {  	v13 =	vadd.s32 $0xFFFFA002, v13;
	v59 =	vnsel vm5, $0x5FFF, v58;
	v12 =	vsel vm4, v15, v12  }
0x1fe: {  	vm5 =	vgt.s32 v13, $0x0;
	v15 =	vmul.f32 v15, v9;
	v60 =	vmul.f32 v12, v10  }
0x1ff: {  	s3 =	sadd.s32 $0x2, s3;
	v13 =	vnsel vm5, $0x0, v13  }
0x200: {  	v61 =	vadd.s32 s3, v4;
	v15 =	vadd.f32 v60, v15  }
0x201: {  	[tilespmem:v56+s28+$0x0] =	vst.idx.msk $0xffff, v12  }
0x202: {  	v11 =	vadd.s32 v11, v61;
	(v2sf) =	vpush v52, $0xF;
	[tilespmem:v56+s29+$0x0] =	vst.idx.msk $0xffff, v15  }
0x203: {  	v12 =	vld.idx.msk [tilespmem:v59+s30+$0x0], $0xffff  }
0x204: {  	v13 =	vld.idx.msk [tilespmem:v13+s31+$0x0], $0xffff  }
0x205: {  	v62 =	vld.idx.msk [tilespmem:v61+s26+$0x0], $0xffff;
	_ =	sdelay $0x1  }
0x206: {  	v11 =	vld.idx.msk [tilespmem:v11+s23+$0x0], $0xffff  }
0x207: {  	vm5 =	vlt.s32 v58, $0x6000  }
0x208: {  	v12 =	vsel vm5, v12, v13  }
0x209: {  	v12 =	vadd.f32 v62, v12;
	_ =	sdelay $0x1  }
0x20a: {  	v12 =	vsel vm4, v11, v12  }
0x20b: {  	v11 =	vmul.f32 v11, v9;
	v63 =	vmul.f32 v12, v10;
	_ =	sdelay $0x1  }
0x20c: {  	v11 =	vadd.f32 v63, v11  }
0x20d: {  	[tilespmem:v61+s28+$0x0] =	vst.idx.msk $0xffff, v12  }
0x20e: {  	s21 =	sadd.s32 s9, s4;
	s14 =	spop (v2sf);
	[tilespmem:v61+s29+$0x0] =	vst.idx.msk $0xffff, v11  }
0x20f: {  	[hbm4b:s21+s18] =	stream.strided.scatter [tilespmem:s29], [sflag:$0x1], $0x1800, s19, s18, $0x38;
	[tilespmem:$0x18BA0] =	vst v63  }
0x210: {  	_ =	swait.ge [sflag:s20], $0x1800  }
0x211: {  	s2 =	sadd.s32 $0x1, s2;
	[sflag:s20] =	ssyncset.done $0x0  }
0x212: {  	s25 =	sadd.s32 s10, s4;
	p0 =	seq.s32 s2, $0x4;
	[sflag:s20] =	ssyncadd.s32 $0xFFFFE800  }
0x213: {  	[hbm4b:s25+s18] =	stream.strided.scatter [tilespmem:s28], [sflag:$0x1], $0x1800, s19, s18, $0x38;
	[tilespmem:$0x18BA0] =	vst v63  }
.Ltmp10:
0x214: {  	_ = 	snop;
	(pc) =	sbr.rel @!p0 .LBB2_13-.Ltmp10, $4  }
.Ltmp11:
0x215: {  	_ = 	snop;
	(pc) =	sbr.rel @p0 .LBB2_16-.Ltmp11, $4  }
0x216: {  	_ =	swait.ge [sflag:s20], $0x1800  }
0x217: {  	[sflag:s20] =	ssyncset.done $0x0  }
0x218: {  	s3 =	sadd.s32 s24, s14;
	[sflag:s20] =	ssyncadd.s32 $0xFFFFE800  }
0x219: {  	_ = 	snop  }
.LBB2_17:
0x21a: {  	_ =	sfence.sel $0x180000  }
0x21b: {  	[bflag:$0x0] =	sbarrier.arrive $0xFFFF  }
0x21c: {  	_ =	strace $0x90000047  }
0x21d: {  	s0 =	stileid.u32;
	[bflag:$0x2] =	sbarrier.arrive $0xFFFF  }
0x21e: {  	p0 =	sne.s32 s0, $0x0;
	s0 =	rddreg [dreg:$0x5]  }
0x21f: {  	s0 =	sadd.s32 @!p0 $0x100000, s0  }
0x220: {  	[sflag:s0] =	ssyncadd.tile.s32 @!p0 $0x1;
	_ =	shalt  }
.Lfunc_end2:
_tile_overlayer_lowered:
.L_overlay_start_2:
0x221: {  	(tag) =	ssettag $0x2  }
0x222: {  	s0 =	rddreg [dreg:$0x0];
	s2 =	stileid.u32  }
0x223: {  	s1 =	rddreg [dreg:$0x1];
	p0 =	sne.s32 s2, $0x0  }
0x224: {  	s3 =	rddreg [dreg:$0x2];
	[bflag:$0x3] =	sbarrier.arrive $0xFFFF;
	s2 =	simm.s32 @!p0 $0x1C01  }
0x225: {  	[timem:s3], [sflag:s2] =	dma.local @!p0 [hbm:s0], s1  }
0x226: {  	s0 =	simm.s32 @!p0 $0x1  }
0x227: {  	_ =	swait.ge @!p0 [sflag:s0], s1  }
0x228: {  	s1 =	ssub.s32 @!p0 $0x0, s1;
	[sflag:s0] =	ssyncset.done @!p0 $0x0  }
0x229: {  	[sflag:s0] =	ssyncadd.s32 @!p0 s1  }
0x22a: {  	[bflag:$0x3] =	sbarrier.arrive $0xFFFF  }
0x22b: {  	_ =	shalt  }

</sc_bundles>
